<compile_context>
chip_gen: v7x
topology: tpu7x:2x2x1
jax: 0.10.2.dev20260603
libtpu: 0.0.44.dev20260713+nightly
codegen_flags: <defaults>
</compile_context>

<pallas_src>
import functools

import jax
import jax.numpy as jnp
from jax import lax
from jax.experimental import pallas as pl
from jax.experimental.pallas import tpu as pltpu
from jax.experimental.pallas import tpu_sc as plsc

D = 128
DP = 128
NC = 2
NS = 16
NW = NC * NS
CHUNK = 128
N_PAD = 10240
RPT = N_PAD // NS


def _sc_aggregate(n_pad, e_pad):
    ept = e_pad // NW
    nch = ept // CHUNK
    mesh = plsc.VectorSubcoreMesh(core_axis_name="c", subcore_axis_name="s")

    def body(x_hbm, src_hbm, dst_hbm, out_hbm, acc_sh, srcv, dstv, idxv,
             rows, sem):
        c = lax.axis_index("c")
        s = lax.axis_index("s")

        zero16 = jnp.zeros((16,), jnp.float32)

        @pl.loop(0, CHUNK)
        def _(i):
            @pl.loop(0, DP, step=16)
            def _(j):
                rows[i, pl.ds(j, 16)] = zero16

        @pl.loop(0, RPT, step=CHUNK)
        def _(r):
            @pl.loop(0, CHUNK, step=16)
            def _(tt):
                idxv[pl.ds(tt, 16)] = lax.iota(jnp.int32, 16) + (
                    s * RPT + r + tt)

            pltpu.sync_copy(rows, acc_sh.at[idxv])

        plsc.subcore_barrier()

        base_ch = (c * NS + s) * nch

        @pl.loop(0, nch)
        def _(e):
            pltpu.sync_copy(src_hbm.at[base_ch + e], srcv)
            pltpu.sync_copy(dst_hbm.at[base_ch + e], dstv)
            pltpu.async_copy(x_hbm.at[srcv], rows, sem).wait()
            pltpu.sync_copy(rows, acc_sh.at[dstv], add=True)

        plsc.subcore_barrier()

        @pl.loop(0, RPT, step=CHUNK)
        def _(r):
            @pl.loop(0, CHUNK, step=16)
            def _(tt):
                idxv[pl.ds(tt, 16)] = lax.iota(jnp.int32, 16) + (
                    s * RPT + r + tt)

            pltpu.sync_copy(acc_sh.at[idxv], rows)
            pltpu.sync_copy(rows, out_hbm.at[c, pl.ds(s * RPT + r, CHUNK)])

    return pl.kernel(
        body,
        out_type=jax.ShapeDtypeStruct((NC, n_pad, DP), jnp.float32),
        mesh=mesh,
        scratch_types=(
            pltpu.VMEM_SHARED((n_pad, DP), jnp.float32),
            pltpu.VMEM((CHUNK,), jnp.int32),
            pltpu.VMEM((CHUNK,), jnp.int32),
            pltpu.VMEM((CHUNK,), jnp.int32),
            pltpu.VMEM((CHUNK, DP), jnp.float32),
            pltpu.SemaphoreType.DMA,
        ),
    )


def _sc_count(n_pad, e_pad):
    ept = e_pad // NW
    nch = ept // CHUNK
    mesh = plsc.VectorSubcoreMesh(core_axis_name="c", subcore_axis_name="s")

    def body(dst_hbm, out_hbm, acc_sh, dstv, idxv, rows):
        c = lax.axis_index("c")
        s = lax.axis_index("s")

        zero16 = jnp.zeros((16,), jnp.float32)

        @pl.loop(0, CHUNK)
        def _(i):
            @pl.loop(0, DP, step=16)
            def _(j):
                rows[i, pl.ds(j, 16)] = zero16

        @pl.loop(0, RPT, step=CHUNK)
        def _(r):
            @pl.loop(0, CHUNK, step=16)
            def _(tt):
                idxv[pl.ds(tt, 16)] = lax.iota(jnp.int32, 16) + (
                    s * RPT + r + tt)

            pltpu.sync_copy(rows, acc_sh.at[idxv])

        one16 = jnp.ones((16,), jnp.float32)

        @pl.loop(0, CHUNK)
        def _(i):
            @pl.loop(0, DP, step=16)
            def _(j):
                rows[i, pl.ds(j, 16)] = one16

        plsc.subcore_barrier()

        base_ch = (c * NS + s) * nch

        @pl.loop(0, nch)
        def _(e):
            pltpu.sync_copy(dst_hbm.at[base_ch + e], dstv)
            pltpu.sync_copy(rows, acc_sh.at[dstv], add=True)

        plsc.subcore_barrier()

        @pl.loop(0, RPT, step=CHUNK)
        def _(r):
            @pl.loop(0, CHUNK, step=16)
            def _(tt):
                idxv[pl.ds(tt, 16)] = lax.iota(jnp.int32, 16) + (
                    s * RPT + r + tt)

            pltpu.sync_copy(acc_sh.at[idxv], rows)
            pltpu.sync_copy(rows, out_hbm.at[c, pl.ds(s * RPT + r, CHUNK)])

    return pl.kernel(
        body,
        out_type=jax.ShapeDtypeStruct((NC, n_pad, DP), jnp.float32),
        mesh=mesh,
        scratch_types=(
            pltpu.VMEM_SHARED((n_pad, DP), jnp.float32),
            pltpu.VMEM((CHUNK,), jnp.int32),
            pltpu.VMEM((CHUNK,), jnp.int32),
            pltpu.VMEM((CHUNK, DP), jnp.float32),
        ),
    )


def _tc_combine(parts, cnt_in, x_in, w_l, b_l, w_r, relu, pad_out):
    n = x_in.shape[0]
    blk = 2000
    assert n % blk == 0
    dout = DP if pad_out else D

    def body(parts_ref, cnt_ref, x_ref, wl_ref, bl_ref, wr_ref,
             out_ref, cnt_out_ref):
        p = parts_ref[...]
        agg = p[0, :, :D] + p[1, :, :D]
        cn = cnt_ref[...]
        if cn.ndim == 3:
            cnt = cn[0, :, 0:1] + cn[1, :, 0:1]
        else:
            cnt = cn
        cnt_out_ref[...] = cnt
        mean = agg / jnp.maximum(cnt, 1.0)
        y = (lax.dot(mean, wl_ref[...], precision=lax.Precision.HIGHEST,
                     preferred_element_type=jnp.float32)
             + bl_ref[...]
             + lax.dot(x_ref[...][:, :D], wr_ref[...],
                       precision=lax.Precision.HIGHEST,
                       preferred_element_type=jnp.float32))
        if relu:
            y = jnp.maximum(y, 0.0)
        out_ref[...] = y

    if cnt_in.ndim == 3:
        cnt_spec = pl.BlockSpec((NC, blk, DP), lambda i: (0, i, 0))
    else:
        cnt_spec = pl.BlockSpec((blk, 1), lambda i: (i, 0))
    specs = [
        pl.BlockSpec((NC, blk, DP), lambda i: (0, i, 0)),
        cnt_spec,
        pl.BlockSpec((blk, DP), lambda i: (i, 0)),
        pl.BlockSpec((D, D), lambda i: (0, 0)),
        pl.BlockSpec((1, D), lambda i: (0, 0)),
        pl.BlockSpec((D, D), lambda i: (0, 0)),
    ]
    args = [parts, cnt_in, x_in, w_l, b_l.reshape(1, D), w_r]
    fn = body
    return pl.pallas_call(
        fn,
        grid=(n // blk,),
        in_specs=specs,
        out_specs=(pl.BlockSpec((blk, dout), lambda i: (i, 0)),
                   pl.BlockSpec((blk, 1), lambda i: (i, 0))),
        out_shape=(jax.ShapeDtypeStruct((n, dout), jnp.float32),
                   jax.ShapeDtypeStruct((n, 1), jnp.float32)),
    )(*args)


def kernel(x, edge_index, W_l0, b_l0, W_r0, W_l1, b_l1, W_r1):
    n = x.shape[0]
    e = edge_index.shape[1]
    e_pad = -(-e // (NW * CHUNK)) * (NW * CHUNK)
    src = edge_index[0]
    dst = edge_index[1]
    pad = e_pad - e
    if pad:
        src = jnp.concatenate([src, jnp.zeros((pad,), jnp.int32)])
        dst = jnp.concatenate([dst, jnp.full((pad,), n, jnp.int32)])
    src = src.reshape(e_pad // CHUNK, CHUNK)
    dst = dst.reshape(e_pad // CHUNK, CHUNK)

    parts0 = _sc_aggregate(N_PAD, e_pad)(x, src, dst)
    cnts = _sc_count(N_PAD, e_pad)(dst)
    h, cnt = _tc_combine(parts0, cnts, x, W_l0, b_l0, W_r0,
                         relu=True, pad_out=False)
    parts1 = _sc_aggregate(N_PAD, e_pad)(h, src, dst)
    out, _ = _tc_combine(parts1, cnt, h, W_l1, b_l1, W_r1,
                         relu=False, pad_out=False)
    return out

# --- scband reference (transcript-rebuilt; emitter-appended) ---
"""Pipeline reference for scband-gnnbase-84765474554466 (READ-ONLY COPY).

The authoritative reference and input builder live on the scoring server;
editing this copy changes nothing except your own understanding.
"""

import jax, jax.numpy as jnp
import numpy as np

N_NODES = 10000
N_EDGES = 320000
D_IN = 128
D_HID = 128
D_OUT = 128


def _glorot(key, shape):
    fan_in = shape[0]
    return jax.random.normal(key, shape, dtype=jnp.float32) / jnp.sqrt(jnp.float32(fan_in))


def setup_inputs(seed: int = 0) -> dict:
    key = jax.random.key(seed)
    ks = jax.random.split(key, 9)
    x = jax.random.normal(ks[0], (N_NODES, D_IN), dtype=jnp.float32)
    edge_index = jax.random.randint(ks[1], (2, N_EDGES), 0, N_NODES, dtype=jnp.int32)
    # SAGEConv layer 0: lin_l (neighbor aggr, with bias), lin_r (root, no bias)
    W_l0 = _glorot(ks[2], (D_IN, D_HID))
    b_l0 = jnp.zeros((D_HID,), dtype=jnp.float32)
    W_r0 = _glorot(ks[3], (D_IN, D_HID))
    # SAGEConv layer 1
    W_l1 = _glorot(ks[4], (D_HID, D_OUT))
    b_l1 = jnp.zeros((D_OUT,), dtype=jnp.float32)
    W_r1 = _glorot(ks[5], (D_HID, D_OUT))
    return {
        "x": x,
        "edge_index": edge_index,
        "W_l0": W_l0, "b_l0": b_l0, "W_r0": W_r0,
        "W_l1": W_l1, "b_l1": b_l1, "W_r1": W_r1,
    }


def _sage_conv(x, src, dst, W_l, b_l, W_r, num_nodes):
    # gather source-node features per edge, mean-aggregate at destination
    msgs = jnp.take(x, src, axis=0)                                   # [E, D] gather
    agg_sum = jax.ops.segment_sum(msgs, dst, num_segments=num_nodes)  # [N, D] scatter-add
    ones = jnp.ones((src.shape[0], 1), dtype=x.dtype)
    cnt = jax.ops.segment_sum(ones, dst, num_segments=num_nodes)      # in-degree
    agg_mean = agg_sum / jnp.clip(cnt, 1.0)
    # out = lin_l(mean_aggr) + lin_r(x)
    return agg_mean @ W_l + b_l + x @ W_r


def reference(x, edge_index, W_l0, b_l0, W_r0, W_l1, b_l1, W_r1):
    src = edge_index[0]
    dst = edge_index[1]
    h = _sage_conv(x, src, dst, W_l0, b_l0, W_r0, N_NODES)
    h = jax.nn.relu(h)
    out = _sage_conv(h, src, dst, W_l1, b_l1, W_r1, N_NODES)
    return out

if __name__ == "__main__":
    import jax
    _d = setup_inputs()
    print(jax.jit(kernel)(*tuple(_d.values())))

</pallas_src>

<mosaic_0001>
#map = affine_map<(d0, d1) -> (0, 0)>
#map1 = affine_map<(d0, d1) -> (0, 0, 0)>
module attributes {stable_mosaic.version = 14 : i64} {
  func.func @body(%arg0: i32, %arg1: i32, %arg2: memref<2528x128xi32, #tpu.memory_space<hbm>>, %arg3: memref<2x10240x128xf32, #tpu.memory_space<hbm>>, %arg4: memref<10240x128xf32, #tpu.memory_space<vmem_shared>>, %arg5: memref<128xi32, #tpu.memory_space<vmem>>, %arg6: memref<128xi32, #tpu.memory_space<vmem>>, %arg7: memref<128x128xf32, #tpu.memory_space<vmem>>) attributes {dimension_semantics = [#tpu.dimension_semantics<core_parallel>, #tpu.dimension_semantics<subcore_parallel>], iteration_bounds = array<i64: 2, 16>, scalar_prefetch = 0 : i64, scratch_operands = 4 : i64, tpu.core_type = #tpu.core_type<sc_vector_subcore>, window_params = [{transform_indices = #map}, {transform_indices = #map1}]} {
    %broadcast_in_dim3A = arith.constant 0.000000e+00 : f32
    %broadcast_in_dim3A_0 = vector.broadcast %broadcast_in_dim3A : f32 to vector<16xf32>
    %scan3A = arith.constant 0 : i32
    %scan3A_1 = arith.constant 128 : i32
    %scan3A_2 = arith.addi %scan3A, %scan3A_1 : i32
    %scan3A_3 = arith.constant 1 : i32
    scf.for %scan3A_31 = %scan3A to %scan3A_2 step %scan3A_3  : i32 {
      %mul3A_32 = arith.constant 1 : i32
      %mul3A_33 = arith.muli %scan3A_31, %mul3A_32 : i32
      %add3A_34 = arith.constant 0 : i32
      %add3A_35 = arith.addi %add3A_34, %mul3A_33 : i32
      %scan3A_36 = arith.constant 0 : i32
      %scan3A_37 = arith.constant 8 : i32
      %scan3A_38 = arith.addi %scan3A_36, %scan3A_37 : i32
      %scan3A_39 = arith.constant 1 : i32
      scf.for %scan3A_41 = %scan3A_36 to %scan3A_38 step %scan3A_39  : i32 {
        %mul3A_42 = arith.constant 16 : i32
        %mul3A_43 = arith.muli %scan3A_41, %mul3A_42 : i32
        %add3A_44 = arith.constant 0 : i32
        %add3A_45 = arith.addi %add3A_44, %mul3A_43 : i32
        %swap3A = arith.index_cast %add3A_35 : i32 to index
        %swap3A_46 = arith.index_cast %add3A_45 : i32 to index
        %swap3A_47 = tpu.vector_load %arg7[%swap3A, %swap3A_46] {strides = array<i32>} : memref<128x128xf32, #tpu.memory_space<vmem>>, vector<1x16xf32>,
        %swap3A_48 = vector.shape_cast %swap3A_47 : vector<1x16xf32> to vector<16xf32>
        %swap3A_49 = vector.shape_cast %broadcast_in_dim3A_0 : vector<16xf32> to vector<1x16xf32>
        tpu.vector_store %arg7[%swap3A, %swap3A_46], %swap3A_49 {strides = array<i32>} : memref<128x128xf32, #tpu.memory_space<vmem>>, vector<1x16xf32>,
      }
      %scan3A_40 = arith.constant 8 : i32
    }
    %scan3A_4 = arith.constant 128 : i32
    %scan3A_5 = arith.constant 0 : i32
    %scan3A_6 = arith.constant 5 : i32
    %scan3A_7 = arith.addi %scan3A_5, %scan3A_6 : i32
    %scan3A_8 = arith.constant 1 : i32
    scf.for %scan3A_31 = %scan3A_5 to %scan3A_7 step %scan3A_8  : i32 {
      %mul3A_32 = arith.constant 128 : i32
      %mul3A_33 = arith.muli %scan3A_31, %mul3A_32 : i32
      %add3A_34 = arith.constant 0 : i32
      %add3A_35 = arith.addi %add3A_34, %mul3A_33 : i32
      %scan3A_36 = arith.constant 0 : i32
      %scan3A_37 = arith.constant 8 : i32
      %scan3A_38 = arith.addi %scan3A_36, %scan3A_37 : i32
      %scan3A_39 = arith.constant 1 : i32
      scf.for %scan3A_41 = %scan3A_36 to %scan3A_38 step %scan3A_39  : i32 {
        %mul3A_42 = arith.constant 16 : i32
        %mul3A_43 = arith.muli %scan3A_41, %mul3A_42 : i32
        %add3A_44 = arith.constant 0 : i32
        %add3A_45 = arith.addi %add3A_44, %mul3A_43 : i32
        %iota3A = tpu.iota {dimensions = array<i32: 0>} : vector<16xi32>
        %mul3A_46 = arith.constant 640 : i32
        %mul3A_47 = arith.muli %arg1, %mul3A_46 : i32
        %add3A_48 = arith.addi %mul3A_47, %add3A_35 : i32
        %add3A_49 = arith.addi %add3A_48, %add3A_45 : i32
        %add3A_50 = vector.broadcast %add3A_49 : i32 to vector<16xi32>
        %add3A_51 = arith.addi %iota3A, %add3A_50 : vector<16xi32>
        %swap3A = arith.index_cast %add3A_45 : i32 to index
        %swap3A_52 = tpu.vector_load %arg6[%swap3A] {strides = array<i32>} : memref<128xi32, #tpu.memory_space<vmem>>, vector<16xi32>,
        %swap3A_53 = vector.shape_cast %swap3A_52 : vector<16xi32> to vector<16xi32>
        %swap3A_54 = vector.shape_cast %add3A_51 : vector<16xi32> to vector<16xi32>
        tpu.vector_store %arg6[%swap3A], %swap3A_54 {strides = array<i32>} : memref<128xi32, #tpu.memory_space<vmem>>, vector<16xi32>,
      }
      %scan3A_40 = arith.constant 8 : i32
      "tpu.region"() ({
        %run_scoped3A = tpu.sem_alloc : memref<!tpu.dma_semaphore, #tpu.memory_space<semaphore_mem>>
        %dma_start3A = arith.constant 0 : i32
        %dma_start3A_41 = arith.constant 0 : i32
        %dma_start3A_42 = tpu.memref_slice %arg4[%dma_start3A, %dma_start3A_41] : memref<10240x128xf32, #tpu.memory_space<vmem_shared>> -> memref<10240x128xf32, #tpu.memory_space<vmem_shared>>
        tpu.enqueue_indirect_dma source(%arg7 : memref<128x128xf32, #tpu.memory_space<vmem>>) target(%dma_start3A_42 : memref<10240x128xf32, #tpu.memory_space<vmem_shared>>) offsets(%arg6 : memref<128xi32, #tpu.memory_space<vmem>>) semaphore(%run_scoped3A : memref<!tpu.dma_semaphore, #tpu.memory_space<semaphore_mem>>)
        %dma_wait3A = arith.constant 0 : i32
        %dma_wait3A_43 = arith.constant 0 : i32
        %dma_wait3A_44 = tpu.memref_slice %arg4[%dma_wait3A, %dma_wait3A_43] : memref<10240x128xf32, #tpu.memory_space<vmem_shared>> -> memref<10240x128xf32, #tpu.memory_space<vmem_shared>>
        tpu.wait_indirect_dma semaphore(%run_scoped3A : memref<!tpu.dma_semaphore, #tpu.memory_space<semaphore_mem>>) src(%arg7 : memref<128x128xf32, #tpu.memory_space<vmem>>) dst(%dma_wait3A_44 : memref<10240x128xf32, #tpu.memory_space<vmem_shared>>)
        tpu.yield
      }) : () -> ()
    }
    %scan3A_9 = arith.constant 5 : i32
    %broadcast_in_dim3A_10 = arith.constant 1.000000e+00 : f32
    %broadcast_in_dim3A_11 = vector.broadcast %broadcast_in_dim3A_10 : f32 to vector<16xf32>
    %scan3A_12 = arith.constant 0 : i32
    %scan3A_13 = arith.constant 128 : i32
    %scan3A_14 = arith.addi %scan3A_12, %scan3A_13 : i32
    %scan3A_15 = arith.constant 1 : i32
    scf.for %scan3A_31 = %scan3A_12 to %scan3A_14 step %scan3A_15  : i32 {
      %mul3A_32 = arith.constant 1 : i32
      %mul3A_33 = arith.muli %scan3A_31, %mul3A_32 : i32
      %add3A_34 = arith.constant 0 : i32
      %add3A_35 = arith.addi %add3A_34, %mul3A_33 : i32
      %scan3A_36 = arith.constant 0 : i32
      %scan3A_37 = arith.constant 8 : i32
      %scan3A_38 = arith.addi %scan3A_36, %scan3A_37 : i32
      %scan3A_39 = arith.constant 1 : i32
      scf.for %scan3A_41 = %scan3A_36 to %scan3A_38 step %scan3A_39  : i32 {
        %mul3A_42 = arith.constant 16 : i32
        %mul3A_43 = arith.muli %scan3A_41, %mul3A_42 : i32
        %add3A_44 = arith.constant 0 : i32
        %add3A_45 = arith.addi %add3A_44, %mul3A_43 : i32
        %swap3A = arith.index_cast %add3A_35 : i32 to index
        %swap3A_46 = arith.index_cast %add3A_45 : i32 to index
        %swap3A_47 = tpu.vector_load %arg7[%swap3A, %swap3A_46] {strides = array<i32>} : memref<128x128xf32, #tpu.memory_space<vmem>>, vector<1x16xf32>,
        %swap3A_48 = vector.shape_cast %swap3A_47 : vector<1x16xf32> to vector<16xf32>
        %swap3A_49 = vector.shape_cast %broadcast_in_dim3A_11 : vector<16xf32> to vector<1x16xf32>
        tpu.vector_store %arg7[%swap3A, %swap3A_46], %swap3A_49 {strides = array<i32>} : memref<128x128xf32, #tpu.memory_space<vmem>>, vector<1x16xf32>,
      }
      %scan3A_40 = arith.constant 8 : i32
    }
    %scan3A_16 = arith.constant 128 : i32
    %barrier3A = arith.constant 0 : index
    tpu.barrier barrier_id(%barrier3A)
    %mul3A = arith.constant 16 : i32
    %mul3A_17 = arith.muli %arg0, %mul3A : i32
    %add3A = arith.addi %mul3A_17, %arg1 : i32
    %mul3A_18 = arith.constant 79 : i32
    %mul3A_19 = arith.muli %add3A, %mul3A_18 : i32
    %scan3A_20 = arith.constant 0 : i32
    %scan3A_21 = arith.constant 79 : i32
    %scan3A_22 = arith.addi %scan3A_20, %scan3A_21 : i32
    %scan3A_23 = arith.constant 1 : i32
    scf.for %scan3A_31 = %scan3A_20 to %scan3A_22 step %scan3A_23  : i32 {
      %mul3A_32 = arith.constant 1 : i32
      %mul3A_33 = arith.muli %scan3A_31, %mul3A_32 : i32
      %add3A_34 = arith.constant 0 : i32
      %add3A_35 = arith.addi %add3A_34, %mul3A_33 : i32
      %add3A_36 = arith.addi %mul3A_19, %add3A_35 : i32
      "tpu.region"() ({
        %run_scoped3A = tpu.sem_alloc : memref<!tpu.dma_semaphore, #tpu.memory_space<semaphore_mem>>
        %dma_start3A = arith.constant 0 : i32
        %dma_start3A_37 = tpu.memref_slice %arg2[%add3A_36, %dma_start3A] : memref<2528x128xi32, #tpu.memory_space<hbm>> -> memref<1x128xi32, #tpu.memory_space<hbm>>
        %dma_start3A_38 = tpu.memref_squeeze %dma_start3A_37 : memref<1x128xi32, #tpu.memory_space<hbm>> -> memref<128xi32, #tpu.memory_space<hbm>>
        %dma_start3A_39 = arith.constant 0 : i32
        %dma_start3A_40 = tpu.memref_slice %arg2[%add3A_36, %dma_start3A_39] : memref<2528x128xi32, #tpu.memory_space<hbm>> -> memref<1x128xi32, #tpu.memory_space<hbm>>
        %dma_start3A_41 = tpu.memref_squeeze %dma_start3A_40 : memref<1x128xi32, #tpu.memory_space<hbm>> -> memref<128xi32, #tpu.memory_space<hbm>>
        tpu.enqueue_dma source(%dma_start3A_41 : memref<128xi32, #tpu.memory_space<hbm>>) target(%arg5 : memref<128xi32, #tpu.memory_space<vmem>>) target_semaphore(%run_scoped3A : memref<!tpu.dma_semaphore, #tpu.memory_space<semaphore_mem>>)
        %dma_wait3A = arith.constant 0 : i32
        %dma_wait3A_42 = tpu.memref_slice %arg2[%add3A_36, %dma_wait3A] : memref<2528x128xi32, #tpu.memory_space<hbm>> -> memref<1x128xi32, #tpu.memory_space<hbm>>
        %dma_wait3A_43 = tpu.memref_squeeze %dma_wait3A_42 : memref<1x128xi32, #tpu.memory_space<hbm>> -> memref<128xi32, #tpu.memory_space<hbm>>
        %dma_wait3A_44 = arith.constant 0 : i32
        %dma_wait3A_45 = tpu.memref_slice %arg2[%add3A_36, %dma_wait3A_44] : memref<2528x128xi32, #tpu.memory_space<hbm>> -> memref<1x128xi32, #tpu.memory_space<hbm>>
        %dma_wait3A_46 = tpu.memref_squeeze %dma_wait3A_45 : memref<1x128xi32, #tpu.memory_space<hbm>> -> memref<128xi32, #tpu.memory_space<hbm>>
        tpu.wait_dma2 semaphore(%run_scoped3A : memref<!tpu.dma_semaphore, #tpu.memory_space<semaphore_mem>>) src(%dma_wait3A_46 : memref<128xi32, #tpu.memory_space<hbm>>) dst(%arg5 : memref<128xi32, #tpu.memory_space<vmem>>)
        tpu.yield
      }) : () -> ()
      "tpu.region"() ({
        %run_scoped3A = tpu.sem_alloc : memref<!tpu.dma_semaphore, #tpu.memory_space<semaphore_mem>>
        %dma_start3A = arith.constant 0 : i32
        %dma_start3A_37 = arith.constant 0 : i32
        %dma_start3A_38 = tpu.memref_slice %arg4[%dma_start3A, %dma_start3A_37] : memref<10240x128xf32, #tpu.memory_space<vmem_shared>> -> memref<10240x128xf32, #tpu.memory_space<vmem_shared>>
        tpu.enqueue_indirect_dma source(%arg7 : memref<128x128xf32, #tpu.memory_space<vmem>>) target(%dma_start3A_38 : memref<10240x128xf32, #tpu.memory_space<vmem_shared>>) offsets(%arg5 : memref<128xi32, #tpu.memory_space<vmem>>) semaphore(%run_scoped3A : memref<!tpu.dma_semaphore, #tpu.memory_space<semaphore_mem>>) {add = true}
        %dma_wait3A = arith.constant 0 : i32
        %dma_wait3A_39 = arith.constant 0 : i32
        %dma_wait3A_40 = tpu.memref_slice %arg4[%dma_wait3A, %dma_wait3A_39] : memref<10240x128xf32, #tpu.memory_space<vmem_shared>> -> memref<10240x128xf32, #tpu.memory_space<vmem_shared>>
        tpu.wait_indirect_dma semaphore(%run_scoped3A : memref<!tpu.dma_semaphore, #tpu.memory_space<semaphore_mem>>) src(%arg7 : memref<128x128xf32, #tpu.memory_space<vmem>>) dst(%dma_wait3A_40 : memref<10240x128xf32, #tpu.memory_space<vmem_shared>>)
        tpu.yield
      }) : () -> ()
    }
    %scan3A_24 = arith.constant 79 : i32
    %barrier3A_25 = arith.constant 0 : index
    tpu.barrier barrier_id(%barrier3A_25)
    %scan3A_26 = arith.constant 0 : i32
    %scan3A_27 = arith.constant 5 : i32
    %scan3A_28 = arith.addi %scan3A_26, %scan3A_27 : i32
    %scan3A_29 = arith.constant 1 : i32
    scf.for %scan3A_31 = %scan3A_26 to %scan3A_28 step %scan3A_29  : i32 {
      %mul3A_32 = arith.constant 128 : i32
      %mul3A_33 = arith.muli %scan3A_31, %mul3A_32 : i32
      %add3A_34 = arith.constant 0 : i32
      %add3A_35 = arith.addi %add3A_34, %mul3A_33 : i32
      %scan3A_36 = arith.constant 0 : i32
      %scan3A_37 = arith.constant 8 : i32
      %scan3A_38 = arith.addi %scan3A_36, %scan3A_37 : i32
      %scan3A_39 = arith.constant 1 : i32
      scf.for %scan3A_44 = %scan3A_36 to %scan3A_38 step %scan3A_39  : i32 {
        %mul3A_45 = arith.constant 16 : i32
        %mul3A_46 = arith.muli %scan3A_44, %mul3A_45 : i32
        %add3A_47 = arith.constant 0 : i32
        %add3A_48 = arith.addi %add3A_47, %mul3A_46 : i32
        %iota3A = tpu.iota {dimensions = array<i32: 0>} : vector<16xi32>
        %mul3A_49 = arith.constant 640 : i32
        %mul3A_50 = arith.muli %arg1, %mul3A_49 : i32
        %add3A_51 = arith.addi %mul3A_50, %add3A_35 : i32
        %add3A_52 = arith.addi %add3A_51, %add3A_48 : i32
        %add3A_53 = vector.broadcast %add3A_52 : i32 to vector<16xi32>
        %add3A_54 = arith.addi %iota3A, %add3A_53 : vector<16xi32>
        %swap3A = arith.index_cast %add3A_48 : i32 to index
        %swap3A_55 = tpu.vector_load %arg6[%swap3A] {strides = array<i32>} : memref<128xi32, #tpu.memory_space<vmem>>, vector<16xi32>,
        %swap3A_56 = vector.shape_cast %swap3A_55 : vector<16xi32> to vector<16xi32>
        %swap3A_57 = vector.shape_cast %add3A_54 : vector<16xi32> to vector<16xi32>
        tpu.vector_store %arg6[%swap3A], %swap3A_57 {strides = array<i32>} : memref<128xi32, #tpu.memory_space<vmem>>, vector<16xi32>,
      }
      %scan3A_40 = arith.constant 8 : i32
      "tpu.region"() ({
        %run_scoped3A = tpu.sem_alloc : memref<!tpu.dma_semaphore, #tpu.memory_space<semaphore_mem>>
        %dma_start3A = arith.constant 0 : i32
        %dma_start3A_44 = arith.constant 0 : i32
        %dma_start3A_45 = tpu.memref_slice %arg4[%dma_start3A, %dma_start3A_44] : memref<10240x128xf32, #tpu.memory_space<vmem_shared>> -> memref<10240x128xf32, #tpu.memory_space<vmem_shared>>
        tpu.enqueue_indirect_dma source(%dma_start3A_45 : memref<10240x128xf32, #tpu.memory_space<vmem_shared>>) target(%arg7 : memref<128x128xf32, #tpu.memory_space<vmem>>) offsets(%arg6 : memref<128xi32, #tpu.memory_space<vmem>>) semaphore(%run_scoped3A : memref<!tpu.dma_semaphore, #tpu.memory_space<semaphore_mem>>)
        %dma_wait3A = arith.constant 0 : i32
        %dma_wait3A_46 = arith.constant 0 : i32
        %dma_wait3A_47 = tpu.memref_slice %arg4[%dma_wait3A, %dma_wait3A_46] : memref<10240x128xf32, #tpu.memory_space<vmem_shared>> -> memref<10240x128xf32, #tpu.memory_space<vmem_shared>>
        tpu.wait_indirect_dma semaphore(%run_scoped3A : memref<!tpu.dma_semaphore, #tpu.memory_space<semaphore_mem>>) src(%dma_wait3A_47 : memref<10240x128xf32, #tpu.memory_space<vmem_shared>>) dst(%arg7 : memref<128x128xf32, #tpu.memory_space<vmem>>)
        tpu.yield
      }) : () -> ()
      %mul3A_41 = arith.constant 640 : i32
      %mul3A_42 = arith.muli %arg1, %mul3A_41 : i32
      %add3A_43 = arith.addi %mul3A_42, %add3A_35 : i32
      "tpu.region"() ({
        %run_scoped3A = tpu.sem_alloc : memref<!tpu.dma_semaphore, #tpu.memory_space<semaphore_mem>>
        %dma_start3A = arith.constant 0 : i32
        %dma_start3A_44 = tpu.memref_slice %arg3[%arg0, %add3A_43, %dma_start3A] : memref<2x10240x128xf32, #tpu.memory_space<hbm>> -> memref<1x128x128xf32, #tpu.memory_space<hbm>>
        %dma_start3A_45 = tpu.memref_squeeze %dma_start3A_44 : memref<1x128x128xf32, #tpu.memory_space<hbm>> -> memref<128x128xf32, #tpu.memory_space<hbm>>
        %dma_start3A_46 = arith.constant 0 : i32
        %dma_start3A_47 = tpu.memref_slice %arg3[%arg0, %add3A_43, %dma_start3A_46] : memref<2x10240x128xf32, #tpu.memory_space<hbm>> -> memref<1x128x128xf32, #tpu.memory_space<hbm>>
        %dma_start3A_48 = tpu.memref_squeeze %dma_start3A_47 : memref<1x128x128xf32, #tpu.memory_space<hbm>> -> memref<128x128xf32, #tpu.memory_space<hbm>>
        tpu.enqueue_dma source(%arg7 : memref<128x128xf32, #tpu.memory_space<vmem>>) target(%dma_start3A_48 : memref<128x128xf32, #tpu.memory_space<hbm>>) target_semaphore(%run_scoped3A : memref<!tpu.dma_semaphore, #tpu.memory_space<semaphore_mem>>)
        %dma_wait3A = arith.constant 0 : i32
        %dma_wait3A_49 = tpu.memref_slice %arg3[%arg0, %add3A_43, %dma_wait3A] : memref<2x10240x128xf32, #tpu.memory_space<hbm>> -> memref<1x128x128xf32, #tpu.memory_space<hbm>>
        %dma_wait3A_50 = tpu.memref_squeeze %dma_wait3A_49 : memref<1x128x128xf32, #tpu.memory_space<hbm>> -> memref<128x128xf32, #tpu.memory_space<hbm>>
        %dma_wait3A_51 = arith.constant 0 : i32
        %dma_wait3A_52 = tpu.memref_slice %arg3[%arg0, %add3A_43, %dma_wait3A_51] : memref<2x10240x128xf32, #tpu.memory_space<hbm>> -> memref<1x128x128xf32, #tpu.memory_space<hbm>>
        %dma_wait3A_53 = tpu.memref_squeeze %dma_wait3A_52 : memref<1x128x128xf32, #tpu.memory_space<hbm>> -> memref<128x128xf32, #tpu.memory_space<hbm>>
        tpu.wait_dma2 semaphore(%run_scoped3A : memref<!tpu.dma_semaphore, #tpu.memory_space<semaphore_mem>>) src(%arg7 : memref<128x128xf32, #tpu.memory_space<vmem>>) dst(%dma_wait3A_53 : memref<128x128xf32, #tpu.memory_space<hbm>>)
        tpu.yield
      }) : () -> ()
    }
    %scan3A_30 = arith.constant 5 : i32
    return
  }
}

#map = affine_map<(d0, d1) -> (0, 0)>
#map1 = affine_map<(d0, d1) -> (0, 0, 0)>
module attributes {stable_mosaic.version = 14 : i64} {
  func.func @body(%arg0: i32, %arg1: i32, %arg2: memref<10000x128xf32, #tpu.memory_space<hbm>>, %arg3: memref<2528x128xi32, #tpu.memory_space<hbm>>, %arg4: memref<2528x128xi32, #tpu.memory_space<hbm>>, %arg5: memref<2x10240x128xf32, #tpu.memory_space<hbm>>, %arg6: memref<10240x128xf32, #tpu.memory_space<vmem_shared>>, %arg7: memref<128xi32, #tpu.memory_space<vmem>>, %arg8: memref<128xi32, #tpu.memory_space<vmem>>, %arg9: memref<128xi32, #tpu.memory_space<vmem>>, %arg10: memref<128x128xf32, #tpu.memory_space<vmem>>, %arg11: memref<!tpu.dma_semaphore, #tpu.memory_space<semaphore_mem>>) attributes {dimension_semantics = [#tpu.dimension_semantics<core_parallel>, #tpu.dimension_semantics<subcore_parallel>], iteration_bounds = array<i64: 2, 16>, scalar_prefetch = 0 : i64, scratch_operands = 6 : i64, tpu.core_type = #tpu.core_type<sc_vector_subcore>, window_params = [{transform_indices = #map}, {transform_indices = #map}, {transform_indices = #map}, {transform_indices = #map1}]} {
    %broadcast_in_dim3A = arith.constant 0.000000e+00 : f32
    %broadcast_in_dim3A_0 = vector.broadcast %broadcast_in_dim3A : f32 to vector<16xf32>
    %scan3A = arith.constant 0 : i32
    %scan3A_1 = arith.constant 128 : i32
    %scan3A_2 = arith.addi %scan3A, %scan3A_1 : i32
    %scan3A_3 = arith.constant 1 : i32
    scf.for %scan3A_24 = %scan3A to %scan3A_2 step %scan3A_3  : i32 {
      %mul3A_25 = arith.constant 1 : i32
      %mul3A_26 = arith.muli %scan3A_24, %mul3A_25 : i32
      %add3A_27 = arith.constant 0 : i32
      %add3A_28 = arith.addi %add3A_27, %mul3A_26 : i32
      %scan3A_29 = arith.constant 0 : i32
      %scan3A_30 = arith.constant 8 : i32
      %scan3A_31 = arith.addi %scan3A_29, %scan3A_30 : i32
      %scan3A_32 = arith.constant 1 : i32
      scf.for %scan3A_34 = %scan3A_29 to %scan3A_31 step %scan3A_32  : i32 {
        %mul3A_35 = arith.constant 16 : i32
        %mul3A_36 = arith.muli %scan3A_34, %mul3A_35 : i32
        %add3A_37 = arith.constant 0 : i32
        %add3A_38 = arith.addi %add3A_37, %mul3A_36 : i32
        %swap3A = arith.index_cast %add3A_28 : i32 to index
        %swap3A_39 = arith.index_cast %add3A_38 : i32 to index
        %swap3A_40 = tpu.vector_load %arg10[%swap3A, %swap3A_39] {strides = array<i32>} : memref<128x128xf32, #tpu.memory_space<vmem>>, vector<1x16xf32>,
        %swap3A_41 = vector.shape_cast %swap3A_40 : vector<1x16xf32> to vector<16xf32>
        %swap3A_42 = vector.shape_cast %broadcast_in_dim3A_0 : vector<16xf32> to vector<1x16xf32>
        tpu.vector_store %arg10[%swap3A, %swap3A_39], %swap3A_42 {strides = array<i32>} : memref<128x128xf32, #tpu.memory_space<vmem>>, vector<1x16xf32>,
      }
      %scan3A_33 = arith.constant 8 : i32
    }
    %scan3A_4 = arith.constant 128 : i32
    %scan3A_5 = arith.constant 0 : i32
    %scan3A_6 = arith.constant 5 : i32
    %scan3A_7 = arith.addi %scan3A_5, %scan3A_6 : i32
    %scan3A_8 = arith.constant 1 : i32
    scf.for %scan3A_24 = %scan3A_5 to %scan3A_7 step %scan3A_8  : i32 {
      %mul3A_25 = arith.constant 128 : i32
      %mul3A_26 = arith.muli %scan3A_24, %mul3A_25 : i32
      %add3A_27 = arith.constant 0 : i32
      %add3A_28 = arith.addi %add3A_27, %mul3A_26 : i32
      %scan3A_29 = arith.constant 0 : i32
      %scan3A_30 = arith.constant 8 : i32
      %scan3A_31 = arith.addi %scan3A_29, %scan3A_30 : i32
      %scan3A_32 = arith.constant 1 : i32
      scf.for %scan3A_34 = %scan3A_29 to %scan3A_31 step %scan3A_32  : i32 {
        %mul3A_35 = arith.constant 16 : i32
        %mul3A_36 = arith.muli %scan3A_34, %mul3A_35 : i32
        %add3A_37 = arith.constant 0 : i32
        %add3A_38 = arith.addi %add3A_37, %mul3A_36 : i32
        %iota3A = tpu.iota {dimensions = array<i32: 0>} : vector<16xi32>
        %mul3A_39 = arith.constant 640 : i32
        %mul3A_40 = arith.muli %arg1, %mul3A_39 : i32
        %add3A_41 = arith.addi %mul3A_40, %add3A_28 : i32
        %add3A_42 = arith.addi %add3A_41, %add3A_38 : i32
        %add3A_43 = vector.broadcast %add3A_42 : i32 to vector<16xi32>
        %add3A_44 = arith.addi %iota3A, %add3A_43 : vector<16xi32>
        %swap3A = arith.index_cast %add3A_38 : i32 to index
        %swap3A_45 = tpu.vector_load %arg9[%swap3A] {strides = array<i32>} : memref<128xi32, #tpu.memory_space<vmem>>, vector<16xi32>,
        %swap3A_46 = vector.shape_cast %swap3A_45 : vector<16xi32> to vector<16xi32>
        %swap3A_47 = vector.shape_cast %add3A_44 : vector<16xi32> to vector<16xi32>
        tpu.vector_store %arg9[%swap3A], %swap3A_47 {strides = array<i32>} : memref<128xi32, #tpu.memory_space<vmem>>, vector<16xi32>,
      }
      %scan3A_33 = arith.constant 8 : i32
      "tpu.region"() ({
        %run_scoped3A = tpu.sem_alloc : memref<!tpu.dma_semaphore, #tpu.memory_space<semaphore_mem>>
        %dma_start3A = arith.constant 0 : i32
        %dma_start3A_34 = arith.constant 0 : i32
        %dma_start3A_35 = tpu.memref_slice %arg6[%dma_start3A, %dma_start3A_34] : memref<10240x128xf32, #tpu.memory_space<vmem_shared>> -> memref<10240x128xf32, #tpu.memory_space<vmem_shared>>
        tpu.enqueue_indirect_dma source(%arg10 : memref<128x128xf32, #tpu.memory_space<vmem>>) target(%dma_start3A_35 : memref<10240x128xf32, #tpu.memory_space<vmem_shared>>) offsets(%arg9 : memref<128xi32, #tpu.memory_space<vmem>>) semaphore(%run_scoped3A : memref<!tpu.dma_semaphore, #tpu.memory_space<semaphore_mem>>)
        %dma_wait3A = arith.constant 0 : i32
        %dma_wait3A_36 = arith.constant 0 : i32
        %dma_wait3A_37 = tpu.memref_slice %arg6[%dma_wait3A, %dma_wait3A_36] : memref<10240x128xf32, #tpu.memory_space<vmem_shared>> -> memref<10240x128xf32, #tpu.memory_space<vmem_shared>>
        tpu.wait_indirect_dma semaphore(%run_scoped3A : memref<!tpu.dma_semaphore, #tpu.memory_space<semaphore_mem>>) src(%arg10 : memref<128x128xf32, #tpu.memory_space<vmem>>) dst(%dma_wait3A_37 : memref<10240x128xf32, #tpu.memory_space<vmem_shared>>)
        tpu.yield
      }) : () -> ()
    }
    %scan3A_9 = arith.constant 5 : i32
    %barrier3A = arith.constant 0 : index
    tpu.barrier barrier_id(%barrier3A)
    %mul3A = arith.constant 16 : i32
    %mul3A_10 = arith.muli %arg0, %mul3A : i32
    %add3A = arith.addi %mul3A_10, %arg1 : i32
    %mul3A_11 = arith.constant 79 : i32
    %mul3A_12 = arith.muli %add3A, %mul3A_11 : i32
    %scan3A_13 = arith.constant 0 : i32
    %scan3A_14 = arith.constant 79 : i32
    %scan3A_15 = arith.addi %scan3A_13, %scan3A_14 : i32
    %scan3A_16 = arith.constant 1 : i32
    scf.for %scan3A_24 = %scan3A_13 to %scan3A_15 step %scan3A_16  : i32 {
      %mul3A_25 = arith.constant 1 : i32
      %mul3A_26 = arith.muli %scan3A_24, %mul3A_25 : i32
      %add3A_27 = arith.constant 0 : i32
      %add3A_28 = arith.addi %add3A_27, %mul3A_26 : i32
      %add3A_29 = arith.addi %mul3A_12, %add3A_28 : i32
      "tpu.region"() ({
        %run_scoped3A = tpu.sem_alloc : memref<!tpu.dma_semaphore, #tpu.memory_space<semaphore_mem>>
        %dma_start3A_35 = arith.constant 0 : i32
        %dma_start3A_36 = tpu.memref_slice %arg3[%add3A_29, %dma_start3A_35] : memref<2528x128xi32, #tpu.memory_space<hbm>> -> memref<1x128xi32, #tpu.memory_space<hbm>>
        %dma_start3A_37 = tpu.memref_squeeze %dma_start3A_36 : memref<1x128xi32, #tpu.memory_space<hbm>> -> memref<128xi32, #tpu.memory_space<hbm>>
        %dma_start3A_38 = arith.constant 0 : i32
        %dma_start3A_39 = tpu.memref_slice %arg3[%add3A_29, %dma_start3A_38] : memref<2528x128xi32, #tpu.memory_space<hbm>> -> memref<1x128xi32, #tpu.memory_space<hbm>>
        %dma_start3A_40 = tpu.memref_squeeze %dma_start3A_39 : memref<1x128xi32, #tpu.memory_space<hbm>> -> memref<128xi32, #tpu.memory_space<hbm>>
        tpu.enqueue_dma source(%dma_start3A_40 : memref<128xi32, #tpu.memory_space<hbm>>) target(%arg7 : memref<128xi32, #tpu.memory_space<vmem>>) target_semaphore(%run_scoped3A : memref<!tpu.dma_semaphore, #tpu.memory_space<semaphore_mem>>)
        %dma_wait3A_41 = arith.constant 0 : i32
        %dma_wait3A_42 = tpu.memref_slice %arg3[%add3A_29, %dma_wait3A_41] : memref<2528x128xi32, #tpu.memory_space<hbm>> -> memref<1x128xi32, #tpu.memory_space<hbm>>
        %dma_wait3A_43 = tpu.memref_squeeze %dma_wait3A_42 : memref<1x128xi32, #tpu.memory_space<hbm>> -> memref<128xi32, #tpu.memory_space<hbm>>
        %dma_wait3A_44 = arith.constant 0 : i32
        %dma_wait3A_45 = tpu.memref_slice %arg3[%add3A_29, %dma_wait3A_44] : memref<2528x128xi32, #tpu.memory_space<hbm>> -> memref<1x128xi32, #tpu.memory_space<hbm>>
        %dma_wait3A_46 = tpu.memref_squeeze %dma_wait3A_45 : memref<1x128xi32, #tpu.memory_space<hbm>> -> memref<128xi32, #tpu.memory_space<hbm>>
        tpu.wait_dma2 semaphore(%run_scoped3A : memref<!tpu.dma_semaphore, #tpu.memory_space<semaphore_mem>>) src(%dma_wait3A_46 : memref<128xi32, #tpu.memory_space<hbm>>) dst(%arg7 : memref<128xi32, #tpu.memory_space<vmem>>)
        tpu.yield
      }) : () -> ()
      %add3A_30 = arith.addi %mul3A_12, %add3A_28 : i32
      "tpu.region"() ({
        %run_scoped3A = tpu.sem_alloc : memref<!tpu.dma_semaphore, #tpu.memory_space<semaphore_mem>>
        %dma_start3A_35 = arith.constant 0 : i32
        %dma_start3A_36 = tpu.memref_slice %arg4[%add3A_30, %dma_start3A_35] : memref<2528x128xi32, #tpu.memory_space<hbm>> -> memref<1x128xi32, #tpu.memory_space<hbm>>
        %dma_start3A_37 = tpu.memref_squeeze %dma_start3A_36 : memref<1x128xi32, #tpu.memory_space<hbm>> -> memref<128xi32, #tpu.memory_space<hbm>>
        %dma_start3A_38 = arith.constant 0 : i32
        %dma_start3A_39 = tpu.memref_slice %arg4[%add3A_30, %dma_start3A_38] : memref<2528x128xi32, #tpu.memory_space<hbm>> -> memref<1x128xi32, #tpu.memory_space<hbm>>
        %dma_start3A_40 = tpu.memref_squeeze %dma_start3A_39 : memref<1x128xi32, #tpu.memory_space<hbm>> -> memref<128xi32, #tpu.memory_space<hbm>>
        tpu.enqueue_dma source(%dma_start3A_40 : memref<128xi32, #tpu.memory_space<hbm>>) target(%arg8 : memref<128xi32, #tpu.memory_space<vmem>>) target_semaphore(%run_scoped3A : memref<!tpu.dma_semaphore, #tpu.memory_space<semaphore_mem>>)
        %dma_wait3A_41 = arith.constant 0 : i32
        %dma_wait3A_42 = tpu.memref_slice %arg4[%add3A_30, %dma_wait3A_41] : memref<2528x128xi32, #tpu.memory_space<hbm>> -> memref<1x128xi32, #tpu.memory_space<hbm>>
        %dma_wait3A_43 = tpu.memref_squeeze %dma_wait3A_42 : memref<1x128xi32, #tpu.memory_space<hbm>> -> memref<128xi32, #tpu.memory_space<hbm>>
        %dma_wait3A_44 = arith.constant 0 : i32
        %dma_wait3A_45 = tpu.memref_slice %arg4[%add3A_30, %dma_wait3A_44] : memref<2528x128xi32, #tpu.memory_space<hbm>> -> memref<1x128xi32, #tpu.memory_space<hbm>>
        %dma_wait3A_46 = tpu.memref_squeeze %dma_wait3A_45 : memref<1x128xi32, #tpu.memory_space<hbm>> -> memref<128xi32, #tpu.memory_space<hbm>>
        tpu.wait_dma2 semaphore(%run_scoped3A : memref<!tpu.dma_semaphore, #tpu.memory_space<semaphore_mem>>) src(%dma_wait3A_46 : memref<128xi32, #tpu.memory_space<hbm>>) dst(%arg8 : memref<128xi32, #tpu.memory_space<vmem>>)
        tpu.yield
      }) : () -> ()
      %dma_start3A = arith.constant 0 : i32
      %dma_start3A_31 = arith.constant 0 : i32
      %dma_start3A_32 = tpu.memref_slice %arg2[%dma_start3A, %dma_start3A_31] : memref<10000x128xf32, #tpu.memory_space<hbm>> -> memref<10000x128xf32, #tpu.memory_space<hbm>>
      tpu.enqueue_indirect_dma source(%dma_start3A_32 : memref<10000x128xf32, #tpu.memory_space<hbm>>) target(%arg10 : memref<128x128xf32, #tpu.memory_space<vmem>>) offsets(%arg7 : memref<128xi32, #tpu.memory_space<vmem>>) semaphore(%arg11 : memref<!tpu.dma_semaphore, #tpu.memory_space<semaphore_mem>>)
      %dma_wait3A = arith.constant 0 : i32
      %dma_wait3A_33 = arith.constant 0 : i32
      %dma_wait3A_34 = tpu.memref_slice %arg2[%dma_wait3A, %dma_wait3A_33] : memref<10000x128xf32, #tpu.memory_space<hbm>> -> memref<10000x128xf32, #tpu.memory_space<hbm>>
      tpu.wait_indirect_dma semaphore(%arg11 : memref<!tpu.dma_semaphore, #tpu.memory_space<semaphore_mem>>) src(%dma_wait3A_34 : memref<10000x128xf32, #tpu.memory_space<hbm>>) dst(%arg10 : memref<128x128xf32, #tpu.memory_space<vmem>>)
      "tpu.region"() ({
        %run_scoped3A = tpu.sem_alloc : memref<!tpu.dma_semaphore, #tpu.memory_space<semaphore_mem>>
        %dma_start3A_35 = arith.constant 0 : i32
        %dma_start3A_36 = arith.constant 0 : i32
        %dma_start3A_37 = tpu.memref_slice %arg6[%dma_start3A_35, %dma_start3A_36] : memref<10240x128xf32, #tpu.memory_space<vmem_shared>> -> memref<10240x128xf32, #tpu.memory_space<vmem_shared>>
        tpu.enqueue_indirect_dma source(%arg10 : memref<128x128xf32, #tpu.memory_space<vmem>>) target(%dma_start3A_37 : memref<10240x128xf32, #tpu.memory_space<vmem_shared>>) offsets(%arg8 : memref<128xi32, #tpu.memory_space<vmem>>) semaphore(%run_scoped3A : memref<!tpu.dma_semaphore, #tpu.memory_space<semaphore_mem>>) {add = true}
        %dma_wait3A_38 = arith.constant 0 : i32
        %dma_wait3A_39 = arith.constant 0 : i32
        %dma_wait3A_40 = tpu.memref_slice %arg6[%dma_wait3A_38, %dma_wait3A_39] : memref<10240x128xf32, #tpu.memory_space<vmem_shared>> -> memref<10240x128xf32, #tpu.memory_space<vmem_shared>>
        tpu.wait_indirect_dma semaphore(%run_scoped3A : memref<!tpu.dma_semaphore, #tpu.memory_space<semaphore_mem>>) src(%arg10 : memref<128x128xf32, #tpu.memory_space<vmem>>) dst(%dma_wait3A_40 : memref<10240x128xf32, #tpu.memory_space<vmem_shared>>)
        tpu.yield
      }) : () -> ()
    }
    %scan3A_17 = arith.constant 79 : i32
    %barrier3A_18 = arith.constant 0 : index
    tpu.barrier barrier_id(%barrier3A_18)
    %scan3A_19 = arith.constant 0 : i32
    %scan3A_20 = arith.constant 5 : i32
    %scan3A_21 = arith.addi %scan3A_19, %scan3A_20 : i32
    %scan3A_22 = arith.constant 1 : i32
    scf.for %scan3A_24 = %scan3A_19 to %scan3A_21 step %scan3A_22  : i32 {
      %mul3A_25 = arith.constant 128 : i32
      %mul3A_26 = arith.muli %scan3A_24, %mul3A_25 : i32
      %add3A_27 = arith.constant 0 : i32
      %add3A_28 = arith.addi %add3A_27, %mul3A_26 : i32
      %scan3A_29 = arith.constant 0 : i32
      %scan3A_30 = arith.constant 8 : i32
      %scan3A_31 = arith.addi %scan3A_29, %scan3A_30 : i32
      %scan3A_32 = arith.constant 1 : i32
      scf.for %scan3A_37 = %scan3A_29 to %scan3A_31 step %scan3A_32  : i32 {
        %mul3A_38 = arith.constant 16 : i32
        %mul3A_39 = arith.muli %scan3A_37, %mul3A_38 : i32
        %add3A_40 = arith.constant 0 : i32
        %add3A_41 = arith.addi %add3A_40, %mul3A_39 : i32
        %iota3A = tpu.iota {dimensions = array<i32: 0>} : vector<16xi32>
        %mul3A_42 = arith.constant 640 : i32
        %mul3A_43 = arith.muli %arg1, %mul3A_42 : i32
        %add3A_44 = arith.addi %mul3A_43, %add3A_28 : i32
        %add3A_45 = arith.addi %add3A_44, %add3A_41 : i32
        %add3A_46 = vector.broadcast %add3A_45 : i32 to vector<16xi32>
        %add3A_47 = arith.addi %iota3A, %add3A_46 : vector<16xi32>
        %swap3A = arith.index_cast %add3A_41 : i32 to index
        %swap3A_48 = tpu.vector_load %arg9[%swap3A] {strides = array<i32>} : memref<128xi32, #tpu.memory_space<vmem>>, vector<16xi32>,
        %swap3A_49 = vector.shape_cast %swap3A_48 : vector<16xi32> to vector<16xi32>
        %swap3A_50 = vector.shape_cast %add3A_47 : vector<16xi32> to vector<16xi32>
        tpu.vector_store %arg9[%swap3A], %swap3A_50 {strides = array<i32>} : memref<128xi32, #tpu.memory_space<vmem>>, vector<16xi32>,
      }
      %scan3A_33 = arith.constant 8 : i32
      "tpu.region"() ({
        %run_scoped3A = tpu.sem_alloc : memref<!tpu.dma_semaphore, #tpu.memory_space<semaphore_mem>>
        %dma_start3A = arith.constant 0 : i32
        %dma_start3A_37 = arith.constant 0 : i32
        %dma_start3A_38 = tpu.memref_slice %arg6[%dma_start3A, %dma_start3A_37] : memref<10240x128xf32, #tpu.memory_space<vmem_shared>> -> memref<10240x128xf32, #tpu.memory_space<vmem_shared>>
        tpu.enqueue_indirect_dma source(%dma_start3A_38 : memref<10240x128xf32, #tpu.memory_space<vmem_shared>>) target(%arg10 : memref<128x128xf32, #tpu.memory_space<vmem>>) offsets(%arg9 : memref<128xi32, #tpu.memory_space<vmem>>) semaphore(%run_scoped3A : memref<!tpu.dma_semaphore, #tpu.memory_space<semaphore_mem>>)
        %dma_wait3A = arith.constant 0 : i32
        %dma_wait3A_39 = arith.constant 0 : i32
        %dma_wait3A_40 = tpu.memref_slice %arg6[%dma_wait3A, %dma_wait3A_39] : memref<10240x128xf32, #tpu.memory_space<vmem_shared>> -> memref<10240x128xf32, #tpu.memory_space<vmem_shared>>
        tpu.wait_indirect_dma semaphore(%run_scoped3A : memref<!tpu.dma_semaphore, #tpu.memory_space<semaphore_mem>>) src(%dma_wait3A_40 : memref<10240x128xf32, #tpu.memory_space<vmem_shared>>) dst(%arg10 : memref<128x128xf32, #tpu.memory_space<vmem>>)
        tpu.yield
      }) : () -> ()
      %mul3A_34 = arith.constant 640 : i32
      %mul3A_35 = arith.muli %arg1, %mul3A_34 : i32
      %add3A_36 = arith.addi %mul3A_35, %add3A_28 : i32
      "tpu.region"() ({
        %run_scoped3A = tpu.sem_alloc : memref<!tpu.dma_semaphore, #tpu.memory_space<semaphore_mem>>
        %dma_start3A = arith.constant 0 : i32
        %dma_start3A_37 = tpu.memref_slice %arg5[%arg0, %add3A_36, %dma_start3A] : memref<2x10240x128xf32, #tpu.memory_space<hbm>> -> memref<1x128x128xf32, #tpu.memory_space<hbm>>
        %dma_start3A_38 = tpu.memref_squeeze %dma_start3A_37 : memref<1x128x128xf32, #tpu.memory_space<hbm>> -> memref<128x128xf32, #tpu.memory_space<hbm>>
        %dma_start3A_39 = arith.constant 0 : i32
        %dma_start3A_40 = tpu.memref_slice %arg5[%arg0, %add3A_36, %dma_start3A_39] : memref<2x10240x128xf32, #tpu.memory_space<hbm>> -> memref<1x128x128xf32, #tpu.memory_space<hbm>>
        %dma_start3A_41 = tpu.memref_squeeze %dma_start3A_40 : memref<1x128x128xf32, #tpu.memory_space<hbm>> -> memref<128x128xf32, #tpu.memory_space<hbm>>
        tpu.enqueue_dma source(%arg10 : memref<128x128xf32, #tpu.memory_space<vmem>>) target(%dma_start3A_41 : memref<128x128xf32, #tpu.memory_space<hbm>>) target_semaphore(%run_scoped3A : memref<!tpu.dma_semaphore, #tpu.memory_space<semaphore_mem>>)
        %dma_wait3A = arith.constant 0 : i32
        %dma_wait3A_42 = tpu.memref_slice %arg5[%arg0, %add3A_36, %dma_wait3A] : memref<2x10240x128xf32, #tpu.memory_space<hbm>> -> memref<1x128x128xf32, #tpu.memory_space<hbm>>
        %dma_wait3A_43 = tpu.memref_squeeze %dma_wait3A_42 : memref<1x128x128xf32, #tpu.memory_space<hbm>> -> memref<128x128xf32, #tpu.memory_space<hbm>>
        %dma_wait3A_44 = arith.constant 0 : i32
        %dma_wait3A_45 = tpu.memref_slice %arg5[%arg0, %add3A_36, %dma_wait3A_44] : memref<2x10240x128xf32, #tpu.memory_space<hbm>> -> memref<1x128x128xf32, #tpu.memory_space<hbm>>
        %dma_wait3A_46 = tpu.memref_squeeze %dma_wait3A_45 : memref<1x128x128xf32, #tpu.memory_space<hbm>> -> memref<128x128xf32, #tpu.memory_space<hbm>>
        tpu.wait_dma2 semaphore(%run_scoped3A : memref<!tpu.dma_semaphore, #tpu.memory_space<semaphore_mem>>) src(%arg10 : memref<128x128xf32, #tpu.memory_space<vmem>>) dst(%dma_wait3A_46 : memref<128x128xf32, #tpu.memory_space<hbm>>)
        tpu.yield
      }) : () -> ()
    }
    %scan3A_23 = arith.constant 5 : i32
    return
  }
}

#map = affine_map<(d0, d1) -> (0, 0)>
#map1 = affine_map<(d0, d1) -> (0, 0, 0)>
module attributes {stable_mosaic.version = 14 : i64} {
  func.func @body(%arg0: i32, %arg1: i32, %arg2: memref<10000x128xf32, #tpu.memory_space<hbm>>, %arg3: memref<2528x128xi32, #tpu.memory_space<hbm>>, %arg4: memref<2528x128xi32, #tpu.memory_space<hbm>>, %arg5: memref<2x10240x128xf32, #tpu.memory_space<hbm>>, %arg6: memref<10240x128xf32, #tpu.memory_space<vmem_shared>>, %arg7: memref<128xi32, #tpu.memory_space<vmem>>, %arg8: memref<128xi32, #tpu.memory_space<vmem>>, %arg9: memref<128xi32, #tpu.memory_space<vmem>>, %arg10: memref<128x128xf32, #tpu.memory_space<vmem>>, %arg11: memref<!tpu.dma_semaphore, #tpu.memory_space<semaphore_mem>>) attributes {dimension_semantics = [#tpu.dimension_semantics<core_parallel>, #tpu.dimension_semantics<subcore_parallel>], iteration_bounds = array<i64: 2, 16>, scalar_prefetch = 0 : i64, scratch_operands = 6 : i64, tpu.core_type = #tpu.core_type<sc_vector_subcore>, window_params = [{transform_indices = #map}, {transform_indices = #map}, {transform_indices = #map}, {transform_indices = #map1}]} {
    %broadcast_in_dim3A = arith.constant 0.000000e+00 : f32
    %broadcast_in_dim3A_0 = vector.broadcast %broadcast_in_dim3A : f32 to vector<16xf32>
    %scan3A = arith.constant 0 : i32
    %scan3A_1 = arith.constant 128 : i32
    %scan3A_2 = arith.addi %scan3A, %scan3A_1 : i32
    %scan3A_3 = arith.constant 1 : i32
    scf.for %scan3A_24 = %scan3A to %scan3A_2 step %scan3A_3  : i32 {
      %mul3A_25 = arith.constant 1 : i32
      %mul3A_26 = arith.muli %scan3A_24, %mul3A_25 : i32
      %add3A_27 = arith.constant 0 : i32
      %add3A_28 = arith.addi %add3A_27, %mul3A_26 : i32
      %scan3A_29 = arith.constant 0 : i32
      %scan3A_30 = arith.constant 8 : i32
      %scan3A_31 = arith.addi %scan3A_29, %scan3A_30 : i32
      %scan3A_32 = arith.constant 1 : i32
      scf.for %scan3A_34 = %scan3A_29 to %scan3A_31 step %scan3A_32  : i32 {
        %mul3A_35 = arith.constant 16 : i32
        %mul3A_36 = arith.muli %scan3A_34, %mul3A_35 : i32
        %add3A_37 = arith.constant 0 : i32
        %add3A_38 = arith.addi %add3A_37, %mul3A_36 : i32
        %swap3A = arith.index_cast %add3A_28 : i32 to index
        %swap3A_39 = arith.index_cast %add3A_38 : i32 to index
        %swap3A_40 = tpu.vector_load %arg10[%swap3A, %swap3A_39] {strides = array<i32>} : memref<128x128xf32, #tpu.memory_space<vmem>>, vector<1x16xf32>,
        %swap3A_41 = vector.shape_cast %swap3A_40 : vector<1x16xf32> to vector<16xf32>
        %swap3A_42 = vector.shape_cast %broadcast_in_dim3A_0 : vector<16xf32> to vector<1x16xf32>
        tpu.vector_store %arg10[%swap3A, %swap3A_39], %swap3A_42 {strides = array<i32>} : memref<128x128xf32, #tpu.memory_space<vmem>>, vector<1x16xf32>,
      }
      %scan3A_33 = arith.constant 8 : i32
    }
    %scan3A_4 = arith.constant 128 : i32
    %scan3A_5 = arith.constant 0 : i32
    %scan3A_6 = arith.constant 5 : i32
    %scan3A_7 = arith.addi %scan3A_5, %scan3A_6 : i32
    %scan3A_8 = arith.constant 1 : i32
    scf.for %scan3A_24 = %scan3A_5 to %scan3A_7 step %scan3A_8  : i32 {
      %mul3A_25 = arith.constant 128 : i32
      %mul3A_26 = arith.muli %scan3A_24, %mul3A_25 : i32
      %add3A_27 = arith.constant 0 : i32
      %add3A_28 = arith.addi %add3A_27, %mul3A_26 : i32
      %scan3A_29 = arith.constant 0 : i32
      %scan3A_30 = arith.constant 8 : i32
      %scan3A_31 = arith.addi %scan3A_29, %scan3A_30 : i32
      %scan3A_32 = arith.constant 1 : i32
      scf.for %scan3A_34 = %scan3A_29 to %scan3A_31 step %scan3A_32  : i32 {
        %mul3A_35 = arith.constant 16 : i32
        %mul3A_36 = arith.muli %scan3A_34, %mul3A_35 : i32
        %add3A_37 = arith.constant 0 : i32
        %add3A_38 = arith.addi %add3A_37, %mul3A_36 : i32
        %iota3A = tpu.iota {dimensions = array<i32: 0>} : vector<16xi32>
        %mul3A_39 = arith.constant 640 : i32
        %mul3A_40 = arith.muli %arg1, %mul3A_39 : i32
        %add3A_41 = arith.addi %mul3A_40, %add3A_28 : i32
        %add3A_42 = arith.addi %add3A_41, %add3A_38 : i32
        %add3A_43 = vector.broadcast %add3A_42 : i32 to vector<16xi32>
        %add3A_44 = arith.addi %iota3A, %add3A_43 : vector<16xi32>
        %swap3A = arith.index_cast %add3A_38 : i32 to index
        %swap3A_45 = tpu.vector_load %arg9[%swap3A] {strides = array<i32>} : memref<128xi32, #tpu.memory_space<vmem>>, vector<16xi32>,
        %swap3A_46 = vector.shape_cast %swap3A_45 : vector<16xi32> to vector<16xi32>
        %swap3A_47 = vector.shape_cast %add3A_44 : vector<16xi32> to vector<16xi32>
        tpu.vector_store %arg9[%swap3A], %swap3A_47 {strides = array<i32>} : memref<128xi32, #tpu.memory_space<vmem>>, vector<16xi32>,
      }
      %scan3A_33 = arith.constant 8 : i32
      "tpu.region"() ({
        %run_scoped3A = tpu.sem_alloc : memref<!tpu.dma_semaphore, #tpu.memory_space<semaphore_mem>>
        %dma_start3A = arith.constant 0 : i32
        %dma_start3A_34 = arith.constant 0 : i32
        %dma_start3A_35 = tpu.memref_slice %arg6[%dma_start3A, %dma_start3A_34] : memref<10240x128xf32, #tpu.memory_space<vmem_shared>> -> memref<10240x128xf32, #tpu.memory_space<vmem_shared>>
        tpu.enqueue_indirect_dma source(%arg10 : memref<128x128xf32, #tpu.memory_space<vmem>>) target(%dma_start3A_35 : memref<10240x128xf32, #tpu.memory_space<vmem_shared>>) offsets(%arg9 : memref<128xi32, #tpu.memory_space<vmem>>) semaphore(%run_scoped3A : memref<!tpu.dma_semaphore, #tpu.memory_space<semaphore_mem>>)
        %dma_wait3A = arith.constant 0 : i32
        %dma_wait3A_36 = arith.constant 0 : i32
        %dma_wait3A_37 = tpu.memref_slice %arg6[%dma_wait3A, %dma_wait3A_36] : memref<10240x128xf32, #tpu.memory_space<vmem_shared>> -> memref<10240x128xf32, #tpu.memory_space<vmem_shared>>
        tpu.wait_indirect_dma semaphore(%run_scoped3A : memref<!tpu.dma_semaphore, #tpu.memory_space<semaphore_mem>>) src(%arg10 : memref<128x128xf32, #tpu.memory_space<vmem>>) dst(%dma_wait3A_37 : memref<10240x128xf32, #tpu.memory_space<vmem_shared>>)
        tpu.yield
      }) : () -> ()
    }
    %scan3A_9 = arith.constant 5 : i32
    %barrier3A = arith.constant 0 : index
    tpu.barrier barrier_id(%barrier3A)
    %mul3A = arith.constant 16 : i32
    %mul3A_10 = arith.muli %arg0, %mul3A : i32
    %add3A = arith.addi %mul3A_10, %arg1 : i32
    %mul3A_11 = arith.constant 79 : i32
    %mul3A_12 = arith.muli %add3A, %mul3A_11 : i32
    %scan3A_13 = arith.constant 0 : i32
    %scan3A_14 = arith.constant 79 : i32
    %scan3A_15 = arith.addi %scan3A_13, %scan3A_14 : i32
    %scan3A_16 = arith.constant 1 : i32
    scf.for %scan3A_24 = %scan3A_13 to %scan3A_15 step %scan3A_16  : i32 {
      %mul3A_25 = arith.constant 1 : i32
      %mul3A_26 = arith.muli %scan3A_24, %mul3A_25 : i32
      %add3A_27 = arith.constant 0 : i32
      %add3A_28 = arith.addi %add3A_27, %mul3A_26 : i32
      %add3A_29 = arith.addi %mul3A_12, %add3A_28 : i32
      "tpu.region"() ({
        %run_scoped3A = tpu.sem_alloc : memref<!tpu.dma_semaphore, #tpu.memory_space<semaphore_mem>>
        %dma_start3A_35 = arith.constant 0 : i32
        %dma_start3A_36 = tpu.memref_slice %arg3[%add3A_29, %dma_start3A_35] : memref<2528x128xi32, #tpu.memory_space<hbm>> -> memref<1x128xi32, #tpu.memory_space<hbm>>
        %dma_start3A_37 = tpu.memref_squeeze %dma_start3A_36 : memref<1x128xi32, #tpu.memory_space<hbm>> -> memref<128xi32, #tpu.memory_space<hbm>>
        %dma_start3A_38 = arith.constant 0 : i32
        %dma_start3A_39 = tpu.memref_slice %arg3[%add3A_29, %dma_start3A_38] : memref<2528x128xi32, #tpu.memory_space<hbm>> -> memref<1x128xi32, #tpu.memory_space<hbm>>
        %dma_start3A_40 = tpu.memref_squeeze %dma_start3A_39 : memref<1x128xi32, #tpu.memory_space<hbm>> -> memref<128xi32, #tpu.memory_space<hbm>>
        tpu.enqueue_dma source(%dma_start3A_40 : memref<128xi32, #tpu.memory_space<hbm>>) target(%arg7 : memref<128xi32, #tpu.memory_space<vmem>>) target_semaphore(%run_scoped3A : memref<!tpu.dma_semaphore, #tpu.memory_space<semaphore_mem>>)
        %dma_wait3A_41 = arith.constant 0 : i32
        %dma_wait3A_42 = tpu.memref_slice %arg3[%add3A_29, %dma_wait3A_41] : memref<2528x128xi32, #tpu.memory_space<hbm>> -> memref<1x128xi32, #tpu.memory_space<hbm>>
        %dma_wait3A_43 = tpu.memref_squeeze %dma_wait3A_42 : memref<1x128xi32, #tpu.memory_space<hbm>> -> memref<128xi32, #tpu.memory_space<hbm>>
        %dma_wait3A_44 = arith.constant 0 : i32
        %dma_wait3A_45 = tpu.memref_slice %arg3[%add3A_29, %dma_wait3A_44] : memref<2528x128xi32, #tpu.memory_space<hbm>> -> memref<1x128xi32, #tpu.memory_space<hbm>>
        %dma_wait3A_46 = tpu.memref_squeeze %dma_wait3A_45 : memref<1x128xi32, #tpu.memory_space<hbm>> -> memref<128xi32, #tpu.memory_space<hbm>>
        tpu.wait_dma2 semaphore(%run_scoped3A : memref<!tpu.dma_semaphore, #tpu.memory_space<semaphore_mem>>) src(%dma_wait3A_46 : memref<128xi32, #tpu.memory_space<hbm>>) dst(%arg7 : memref<128xi32, #tpu.memory_space<vmem>>)
        tpu.yield
      }) : () -> ()
      %add3A_30 = arith.addi %mul3A_12, %add3A_28 : i32
      "tpu.region"() ({
        %run_scoped3A = tpu.sem_alloc : memref<!tpu.dma_semaphore, #tpu.memory_space<semaphore_mem>>
        %dma_start3A_35 = arith.constant 0 : i32
        %dma_start3A_36 = tpu.memref_slice %arg4[%add3A_30, %dma_start3A_35] : memref<2528x128xi32, #tpu.memory_space<hbm>> -> memref<1x128xi32, #tpu.memory_space<hbm>>
        %dma_start3A_37 = tpu.memref_squeeze %dma_start3A_36 : memref<1x128xi32, #tpu.memory_space<hbm>> -> memref<128xi32, #tpu.memory_space<hbm>>
        %dma_start3A_38 = arith.constant 0 : i32
        %dma_start3A_39 = tpu.memref_slice %arg4[%add3A_30, %dma_start3A_38] : memref<2528x128xi32, #tpu.memory_space<hbm>> -> memref<1x128xi32, #tpu.memory_space<hbm>>
        %dma_start3A_40 = tpu.memref_squeeze %dma_start3A_39 : memref<1x128xi32, #tpu.memory_space<hbm>> -> memref<128xi32, #tpu.memory_space<hbm>>
        tpu.enqueue_dma source(%dma_start3A_40 : memref<128xi32, #tpu.memory_space<hbm>>) target(%arg8 : memref<128xi32, #tpu.memory_space<vmem>>) target_semaphore(%run_scoped3A : memref<!tpu.dma_semaphore, #tpu.memory_space<semaphore_mem>>)
        %dma_wait3A_41 = arith.constant 0 : i32
        %dma_wait3A_42 = tpu.memref_slice %arg4[%add3A_30, %dma_wait3A_41] : memref<2528x128xi32, #tpu.memory_space<hbm>> -> memref<1x128xi32, #tpu.memory_space<hbm>>
        %dma_wait3A_43 = tpu.memref_squeeze %dma_wait3A_42 : memref<1x128xi32, #tpu.memory_space<hbm>> -> memref<128xi32, #tpu.memory_space<hbm>>
        %dma_wait3A_44 = arith.constant 0 : i32
        %dma_wait3A_45 = tpu.memref_slice %arg4[%add3A_30, %dma_wait3A_44] : memref<2528x128xi32, #tpu.memory_space<hbm>> -> memref<1x128xi32, #tpu.memory_space<hbm>>
        %dma_wait3A_46 = tpu.memref_squeeze %dma_wait3A_45 : memref<1x128xi32, #tpu.memory_space<hbm>> -> memref<128xi32, #tpu.memory_space<hbm>>
        tpu.wait_dma2 semaphore(%run_scoped3A : memref<!tpu.dma_semaphore, #tpu.memory_space<semaphore_mem>>) src(%dma_wait3A_46 : memref<128xi32, #tpu.memory_space<hbm>>) dst(%arg8 : memref<128xi32, #tpu.memory_space<vmem>>)
        tpu.yield
      }) : () -> ()
      %dma_start3A = arith.constant 0 : i32
      %dma_start3A_31 = arith.constant 0 : i32
      %dma_start3A_32 = tpu.memref_slice %arg2[%dma_start3A, %dma_start3A_31] : memref<10000x128xf32, #tpu.memory_space<hbm>> -> memref<10000x128xf32, #tpu.memory_space<hbm>>
      tpu.enqueue_indirect_dma source(%dma_start3A_32 : memref<10000x128xf32, #tpu.memory_space<hbm>>) target(%arg10 : memref<128x128xf32, #tpu.memory_space<vmem>>) offsets(%arg7 : memref<128xi32, #tpu.memory_space<vmem>>) semaphore(%arg11 : memref<!tpu.dma_semaphore, #tpu.memory_space<semaphore_mem>>)
      %dma_wait3A = arith.constant 0 : i32
      %dma_wait3A_33 = arith.constant 0 : i32
      %dma_wait3A_34 = tpu.memref_slice %arg2[%dma_wait3A, %dma_wait3A_33] : memref<10000x128xf32, #tpu.memory_space<hbm>> -> memref<10000x128xf32, #tpu.memory_space<hbm>>
      tpu.wait_indirect_dma semaphore(%arg11 : memref<!tpu.dma_semaphore, #tpu.memory_space<semaphore_mem>>) src(%dma_wait3A_34 : memref<10000x128xf32, #tpu.memory_space<hbm>>) dst(%arg10 : memref<128x128xf32, #tpu.memory_space<vmem>>)
      "tpu.region"() ({
        %run_scoped3A = tpu.sem_alloc : memref<!tpu.dma_semaphore, #tpu.memory_space<semaphore_mem>>
        %dma_start3A_35 = arith.constant 0 : i32
        %dma_start3A_36 = arith.constant 0 : i32
        %dma_start3A_37 = tpu.memref_slice %arg6[%dma_start3A_35, %dma_start3A_36] : memref<10240x128xf32, #tpu.memory_space<vmem_shared>> -> memref<10240x128xf32, #tpu.memory_space<vmem_shared>>
        tpu.enqueue_indirect_dma source(%arg10 : memref<128x128xf32, #tpu.memory_space<vmem>>) target(%dma_start3A_37 : memref<10240x128xf32, #tpu.memory_space<vmem_shared>>) offsets(%arg8 : memref<128xi32, #tpu.memory_space<vmem>>) semaphore(%run_scoped3A : memref<!tpu.dma_semaphore, #tpu.memory_space<semaphore_mem>>) {add = true}
        %dma_wait3A_38 = arith.constant 0 : i32
        %dma_wait3A_39 = arith.constant 0 : i32
        %dma_wait3A_40 = tpu.memref_slice %arg6[%dma_wait3A_38, %dma_wait3A_39] : memref<10240x128xf32, #tpu.memory_space<vmem_shared>> -> memref<10240x128xf32, #tpu.memory_space<vmem_shared>>
        tpu.wait_indirect_dma semaphore(%run_scoped3A : memref<!tpu.dma_semaphore, #tpu.memory_space<semaphore_mem>>) src(%arg10 : memref<128x128xf32, #tpu.memory_space<vmem>>) dst(%dma_wait3A_40 : memref<10240x128xf32, #tpu.memory_space<vmem_shared>>)
        tpu.yield
      }) : () -> ()
    }
    %scan3A_17 = arith.constant 79 : i32
    %barrier3A_18 = arith.constant 0 : index
    tpu.barrier barrier_id(%barrier3A_18)
    %scan3A_19 = arith.constant 0 : i32
    %scan3A_20 = arith.constant 5 : i32
    %scan3A_21 = arith.addi %scan3A_19, %scan3A_20 : i32
    %scan3A_22 = arith.constant 1 : i32
    scf.for %scan3A_24 = %scan3A_19 to %scan3A_21 step %scan3A_22  : i32 {
      %mul3A_25 = arith.constant 128 : i32
      %mul3A_26 = arith.muli %scan3A_24, %mul3A_25 : i32
      %add3A_27 = arith.constant 0 : i32
      %add3A_28 = arith.addi %add3A_27, %mul3A_26 : i32
      %scan3A_29 = arith.constant 0 : i32
      %scan3A_30 = arith.constant 8 : i32
      %scan3A_31 = arith.addi %scan3A_29, %scan3A_30 : i32
      %scan3A_32 = arith.constant 1 : i32
      scf.for %scan3A_37 = %scan3A_29 to %scan3A_31 step %scan3A_32  : i32 {
        %mul3A_38 = arith.constant 16 : i32
        %mul3A_39 = arith.muli %scan3A_37, %mul3A_38 : i32
        %add3A_40 = arith.constant 0 : i32
        %add3A_41 = arith.addi %add3A_40, %mul3A_39 : i32
        %iota3A = tpu.iota {dimensions = array<i32: 0>} : vector<16xi32>
        %mul3A_42 = arith.constant 640 : i32
        %mul3A_43 = arith.muli %arg1, %mul3A_42 : i32
        %add3A_44 = arith.addi %mul3A_43, %add3A_28 : i32
        %add3A_45 = arith.addi %add3A_44, %add3A_41 : i32
        %add3A_46 = vector.broadcast %add3A_45 : i32 to vector<16xi32>
        %add3A_47 = arith.addi %iota3A, %add3A_46 : vector<16xi32>
        %swap3A = arith.index_cast %add3A_41 : i32 to index
        %swap3A_48 = tpu.vector_load %arg9[%swap3A] {strides = array<i32>} : memref<128xi32, #tpu.memory_space<vmem>>, vector<16xi32>,
        %swap3A_49 = vector.shape_cast %swap3A_48 : vector<16xi32> to vector<16xi32>
        %swap3A_50 = vector.shape_cast %add3A_47 : vector<16xi32> to vector<16xi32>
        tpu.vector_store %arg9[%swap3A], %swap3A_50 {strides = array<i32>} : memref<128xi32, #tpu.memory_space<vmem>>, vector<16xi32>,
      }
      %scan3A_33 = arith.constant 8 : i32
      "tpu.region"() ({
        %run_scoped3A = tpu.sem_alloc : memref<!tpu.dma_semaphore, #tpu.memory_space<semaphore_mem>>
        %dma_start3A = arith.constant 0 : i32
        %dma_start3A_37 = arith.constant 0 : i32
        %dma_start3A_38 = tpu.memref_slice %arg6[%dma_start3A, %dma_start3A_37] : memref<10240x128xf32, #tpu.memory_space<vmem_shared>> -> memref<10240x128xf32, #tpu.memory_space<vmem_shared>>
        tpu.enqueue_indirect_dma source(%dma_start3A_38 : memref<10240x128xf32, #tpu.memory_space<vmem_shared>>) target(%arg10 : memref<128x128xf32, #tpu.memory_space<vmem>>) offsets(%arg9 : memref<128xi32, #tpu.memory_space<vmem>>) semaphore(%run_scoped3A : memref<!tpu.dma_semaphore, #tpu.memory_space<semaphore_mem>>)
        %dma_wait3A = arith.constant 0 : i32
        %dma_wait3A_39 = arith.constant 0 : i32
        %dma_wait3A_40 = tpu.memref_slice %arg6[%dma_wait3A, %dma_wait3A_39] : memref<10240x128xf32, #tpu.memory_space<vmem_shared>> -> memref<10240x128xf32, #tpu.memory_space<vmem_shared>>
        tpu.wait_indirect_dma semaphore(%run_scoped3A : memref<!tpu.dma_semaphore, #tpu.memory_space<semaphore_mem>>) src(%dma_wait3A_40 : memref<10240x128xf32, #tpu.memory_space<vmem_shared>>) dst(%arg10 : memref<128x128xf32, #tpu.memory_space<vmem>>)
        tpu.yield
      }) : () -> ()
      %mul3A_34 = arith.constant 640 : i32
      %mul3A_35 = arith.muli %arg1, %mul3A_34 : i32
      %add3A_36 = arith.addi %mul3A_35, %add3A_28 : i32
      "tpu.region"() ({
        %run_scoped3A = tpu.sem_alloc : memref<!tpu.dma_semaphore, #tpu.memory_space<semaphore_mem>>
        %dma_start3A = arith.constant 0 : i32
        %dma_start3A_37 = tpu.memref_slice %arg5[%arg0, %add3A_36, %dma_start3A] : memref<2x10240x128xf32, #tpu.memory_space<hbm>> -> memref<1x128x128xf32, #tpu.memory_space<hbm>>
        %dma_start3A_38 = tpu.memref_squeeze %dma_start3A_37 : memref<1x128x128xf32, #tpu.memory_space<hbm>> -> memref<128x128xf32, #tpu.memory_space<hbm>>
        %dma_start3A_39 = arith.constant 0 : i32
        %dma_start3A_40 = tpu.memref_slice %arg5[%arg0, %add3A_36, %dma_start3A_39] : memref<2x10240x128xf32, #tpu.memory_space<hbm>> -> memref<1x128x128xf32, #tpu.memory_space<hbm>>
        %dma_start3A_41 = tpu.memref_squeeze %dma_start3A_40 : memref<1x128x128xf32, #tpu.memory_space<hbm>> -> memref<128x128xf32, #tpu.memory_space<hbm>>
        tpu.enqueue_dma source(%arg10 : memref<128x128xf32, #tpu.memory_space<vmem>>) target(%dma_start3A_41 : memref<128x128xf32, #tpu.memory_space<hbm>>) target_semaphore(%run_scoped3A : memref<!tpu.dma_semaphore, #tpu.memory_space<semaphore_mem>>)
        %dma_wait3A = arith.constant 0 : i32
        %dma_wait3A_42 = tpu.memref_slice %arg5[%arg0, %add3A_36, %dma_wait3A] : memref<2x10240x128xf32, #tpu.memory_space<hbm>> -> memref<1x128x128xf32, #tpu.memory_space<hbm>>
        %dma_wait3A_43 = tpu.memref_squeeze %dma_wait3A_42 : memref<1x128x128xf32, #tpu.memory_space<hbm>> -> memref<128x128xf32, #tpu.memory_space<hbm>>
        %dma_wait3A_44 = arith.constant 0 : i32
        %dma_wait3A_45 = tpu.memref_slice %arg5[%arg0, %add3A_36, %dma_wait3A_44] : memref<2x10240x128xf32, #tpu.memory_space<hbm>> -> memref<1x128x128xf32, #tpu.memory_space<hbm>>
        %dma_wait3A_46 = tpu.memref_squeeze %dma_wait3A_45 : memref<1x128x128xf32, #tpu.memory_space<hbm>> -> memref<128x128xf32, #tpu.memory_space<hbm>>
        tpu.wait_dma2 semaphore(%run_scoped3A : memref<!tpu.dma_semaphore, #tpu.memory_space<semaphore_mem>>) src(%arg10 : memref<128x128xf32, #tpu.memory_space<vmem>>) dst(%dma_wait3A_46 : memref<128x128xf32, #tpu.memory_space<hbm>>)
        tpu.yield
      }) : () -> ()
    }
    %scan3A_23 = arith.constant 5 : i32
    return
  }
}

module attributes {stable_mosaic.version = 14 : i64} {
  func.func @body(%arg0: i32, %arg1: memref<2x2000x128xf32, #tpu.memory_space<vmem>>, %arg2: memref<2x2000x128xf32, #tpu.memory_space<vmem>>, %arg3: memref<2000x128xf32, #tpu.memory_space<vmem>>, %arg4: memref<128x128xf32, #tpu.memory_space<vmem>>, %arg5: memref<1x128xf32, #tpu.memory_space<vmem>>, %arg6: memref<128x128xf32, #tpu.memory_space<vmem>>, %arg7: memref<2000x128xf32, #tpu.memory_space<vmem>>, %arg8: memref<2000x1xf32, #tpu.memory_space<vmem>>) attributes {dimension_semantics = [#tpu.dimension_semantics<arbitrary>], iteration_bounds = array<i64: 5>, scalar_prefetch = 0 : i64, scratch_operands = 0 : i64, tpu.core_type = #tpu.core_type<tc>, window_params = [{transform_indices = @transform_0, window_bounds = array<i64: 2, 2000, 128>}, {transform_indices = @transform_1, window_bounds = array<i64: 2, 2000, 128>}, {transform_indices = @transform_2, window_bounds = array<i64: 2000, 128>}, {pipeline_mode = #tpu.pipeline_mode<synchronous>, transform_indices = @transform_3, window_bounds = array<i64: 128, 128>}, {pipeline_mode = #tpu.pipeline_mode<synchronous>, transform_indices = @transform_4, window_bounds = array<i64: 1, 128>}, {pipeline_mode = #tpu.pipeline_mode<synchronous>, transform_indices = @transform_5, window_bounds = array<i64: 128, 128>}, {transform_indices = @transform_6, window_bounds = array<i64: 2000, 128>}, {transform_indices = @transform_7, window_bounds = array<i64: 2000, 1>}]} {
    %get3A = arith.constant 0 : index
    %get3A_0 = arith.constant 0 : index
    %get3A_1 = arith.constant 0 : index
    %get3A_2 = vector.load %arg1[%get3A, %get3A_0, %get3A_1] : memref<2x2000x128xf32, #tpu.memory_space<vmem>>, vector<2x2000x128xf32>
    %slice3A = vector.extract_strided_slice %get3A_2 {offsets = [0, 0, 0], sizes = [1, 2000, 128], strides = [1, 1, 1]} : vector<2x2000x128xf32> to vector<1x2000x128xf32>
    %squeeze3A = vector.shape_cast %slice3A : vector<1x2000x128xf32> to vector<2000x128xf32>
    %slice3A_3 = vector.extract_strided_slice %get3A_2 {offsets = [1, 0, 0], sizes = [1, 2000, 128], strides = [1, 1, 1]} : vector<2x2000x128xf32> to vector<1x2000x128xf32>
    %squeeze3A_4 = vector.shape_cast %slice3A_3 : vector<1x2000x128xf32> to vector<2000x128xf32>
    %add3A = arith.addf %squeeze3A, %squeeze3A_4 : vector<2000x128xf32>
    %get3A_5 = arith.constant 0 : index
    %get3A_6 = arith.constant 0 : index
    %get3A_7 = arith.constant 0 : index
    %get3A_8 = vector.load %arg2[%get3A_5, %get3A_6, %get3A_7] : memref<2x2000x128xf32, #tpu.memory_space<vmem>>, vector<2x2000x128xf32>
    %slice3A_9 = vector.extract_strided_slice %get3A_8 {offsets = [0, 0, 0], sizes = [1, 2000, 1], strides = [1, 1, 1]} : vector<2x2000x128xf32> to vector<1x2000x1xf32>
    %squeeze3A_10 = vector.shape_cast %slice3A_9 : vector<1x2000x1xf32> to vector<2000x1xf32>
    %slice3A_11 = vector.extract_strided_slice %get3A_8 {offsets = [1, 0, 0], sizes = [1, 2000, 1], strides = [1, 1, 1]} : vector<2x2000x128xf32> to vector<1x2000x1xf32>
    %squeeze3A_12 = vector.shape_cast %slice3A_11 : vector<1x2000x1xf32> to vector<2000x1xf32>
    %add3A_13 = arith.addf %squeeze3A_10, %squeeze3A_12 : vector<2000x1xf32>
    %swap3A = arith.constant 0 : index
    %swap3A_14 = arith.constant 0 : index
    %swap3A_15 = vector.load %arg8[%swap3A, %swap3A_14] : memref<2000x1xf32, #tpu.memory_space<vmem>>, vector<2000x1xf32>
    tpu.vector_store %arg8[%swap3A, %swap3A_14], %add3A_13 {strides = array<i32>} : memref<2000x1xf32, #tpu.memory_space<vmem>>, vector<2000x1xf32>,
    %max3A = arith.constant 1.000000e+00 : f32
    %max3A_16 = vector.broadcast %max3A : f32 to vector<2000x1xf32>
    %max3A_17 = arith.maximumf %add3A_13, %max3A_16 : vector<2000x1xf32>
    %div3A = vector.broadcast %max3A_17 : vector<2000x1xf32> to vector<2000x128xf32>
    %div3A_18 = arith.divf %add3A, %div3A : vector<2000x128xf32>
    %get3A_19 = arith.constant 0 : index
    %get3A_20 = arith.constant 0 : index
    %get3A_21 = vector.load %arg4[%get3A_19, %get3A_20] : memref<128x128xf32, #tpu.memory_space<vmem>>, vector<128x128xf32>
    %dot_general3A = arith.constant dense<0.000000e+00> : vector<2000x128xf32>
    %dot_general3A_22 = tpu.matmul %div3A_18, %get3A_21, %dot_general3A {dimension_numbers = #tpu.dot_dimension_numbers<[1], [0], [0], [1], [0, 0, 1, 1], [], []>, precision = #tpu.contract_precision<fp32>, transpose_lhs_hint = false} : vector<2000x128xf32>, vector<128x128xf32>, vector<2000x128xf32> -> vector<2000x128xf32>
    %get3A_23 = arith.constant 0 : index
    %get3A_24 = arith.constant 0 : index
    %get3A_25 = vector.load %arg5[%get3A_23, %get3A_24] : memref<1x128xf32, #tpu.memory_space<vmem>>, vector<1x128xf32>
    %add3A_26 = vector.broadcast %get3A_25 : vector<1x128xf32> to vector<2000x128xf32>
    %add3A_27 = arith.addf %dot_general3A_22, %add3A_26 : vector<2000x128xf32>
    %get3A_28 = arith.constant 0 : index
    %get3A_29 = arith.constant 0 : index
    %get3A_30 = vector.load %arg3[%get3A_28, %get3A_29] : memref<2000x128xf32, #tpu.memory_space<vmem>>, vector<2000x128xf32>
    %get3A_31 = arith.constant 0 : index
    %get3A_32 = arith.constant 0 : index
    %get3A_33 = vector.load %arg6[%get3A_31, %get3A_32] : memref<128x128xf32, #tpu.memory_space<vmem>>, vector<128x128xf32>
    %dot_general3A_34 = arith.constant dense<0.000000e+00> : vector<2000x128xf32>
    %dot_general3A_35 = tpu.matmul %get3A_30, %get3A_33, %dot_general3A_34 {dimension_numbers = #tpu.dot_dimension_numbers<[1], [0], [0], [1], [0, 0, 1, 1], [], []>, precision = #tpu.contract_precision<fp32>, transpose_lhs_hint = false} : vector<2000x128xf32>, vector<128x128xf32>, vector<2000x128xf32> -> vector<2000x128xf32>
    %add3A_36 = arith.addf %add3A_27, %dot_general3A_35 : vector<2000x128xf32>
    %max3A_37 = arith.constant 0.000000e+00 : f32
    %max3A_38 = vector.broadcast %max3A_37 : f32 to vector<2000x128xf32>
    %max3A_39 = arith.maximumf %add3A_36, %max3A_38 : vector<2000x128xf32>
    %swap3A_40 = arith.constant 0 : index
    %swap3A_41 = arith.constant 0 : index
    %swap3A_42 = vector.load %arg7[%swap3A_40, %swap3A_41] : memref<2000x128xf32, #tpu.memory_space<vmem>>, vector<2000x128xf32>
    tpu.vector_store %arg7[%swap3A_40, %swap3A_41], %max3A_39 {strides = array<i32>} : memref<2000x128xf32, #tpu.memory_space<vmem>>, vector<2000x128xf32>,
    return
  }
  func.func @transform_0(%arg0: i32) -> (i32, i32, i32) {
    %c0_i32 = arith.constant 0 : i32
    %c0_i32_0 = arith.constant 0 : i32
    %c0_i32_1 = arith.constant 0 : i32
    return %c0_i32, %arg0, %c0_i32_0 : i32, i32, i32
  }
  func.func @transform_1(%arg0: i32) -> (i32, i32, i32) {
    %c0_i32 = arith.constant 0 : i32
    %c0_i32_0 = arith.constant 0 : i32
    %c0_i32_1 = arith.constant 0 : i32
    return %c0_i32, %arg0, %c0_i32_0 : i32, i32, i32
  }
  func.func @transform_2(%arg0: i32) -> (i32, i32) {
    %c0_i32 = arith.constant 0 : i32
    %c0_i32_0 = arith.constant 0 : i32
    return %arg0, %c0_i32 : i32, i32
  }
  func.func @transform_3(%arg0: i32) -> (i32, i32) {
    %c0_i32 = arith.constant 0 : i32
    %c0_i32_0 = arith.constant 0 : i32
    %c0_i32_1 = arith.constant 0 : i32
    return %c0_i32, %c0_i32_0 : i32, i32
  }
  func.func @transform_4(%arg0: i32) -> (i32, i32) {
    %c0_i32 = arith.constant 0 : i32
    %c0_i32_0 = arith.constant 0 : i32
    %c0_i32_1 = arith.constant 0 : i32
    return %c0_i32, %c0_i32_0 : i32, i32
  }
  func.func @transform_5(%arg0: i32) -> (i32, i32) {
    %c0_i32 = arith.constant 0 : i32
    %c0_i32_0 = arith.constant 0 : i32
    %c0_i32_1 = arith.constant 0 : i32
    return %c0_i32, %c0_i32_0 : i32, i32
  }
  func.func @transform_6(%arg0: i32) -> (i32, i32) {
    %c0_i32 = arith.constant 0 : i32
    %c0_i32_0 = arith.constant 0 : i32
    return %arg0, %c0_i32 : i32, i32
  }
  func.func @transform_7(%arg0: i32) -> (i32, i32) {
    %c0_i32 = arith.constant 0 : i32
    %c0_i32_0 = arith.constant 0 : i32
    return %arg0, %c0_i32 : i32, i32
  }
}

module attributes {stable_mosaic.version = 14 : i64} {
  func.func @body(%arg0: i32, %arg1: memref<2x2000x128xf32, #tpu.memory_space<vmem>>, %arg2: memref<2000x1xf32, #tpu.memory_space<vmem>>, %arg3: memref<2000x128xf32, #tpu.memory_space<vmem>>, %arg4: memref<128x128xf32, #tpu.memory_space<vmem>>, %arg5: memref<1x128xf32, #tpu.memory_space<vmem>>, %arg6: memref<128x128xf32, #tpu.memory_space<vmem>>, %arg7: memref<2000x128xf32, #tpu.memory_space<vmem>>, %arg8: memref<2000x1xf32, #tpu.memory_space<vmem>>) attributes {dimension_semantics = [#tpu.dimension_semantics<arbitrary>], iteration_bounds = array<i64: 5>, scalar_prefetch = 0 : i64, scratch_operands = 0 : i64, tpu.core_type = #tpu.core_type<tc>, window_params = [{transform_indices = @transform_0, window_bounds = array<i64: 2, 2000, 128>}, {transform_indices = @transform_1, window_bounds = array<i64: 2000, 1>}, {transform_indices = @transform_2, window_bounds = array<i64: 2000, 128>}, {pipeline_mode = #tpu.pipeline_mode<synchronous>, transform_indices = @transform_3, window_bounds = array<i64: 128, 128>}, {pipeline_mode = #tpu.pipeline_mode<synchronous>, transform_indices = @transform_4, window_bounds = array<i64: 1, 128>}, {pipeline_mode = #tpu.pipeline_mode<synchronous>, transform_indices = @transform_5, window_bounds = array<i64: 128, 128>}, {transform_indices = @transform_6, window_bounds = array<i64: 2000, 128>}, {transform_indices = @transform_7, window_bounds = array<i64: 2000, 1>}]} {
    %get3A = arith.constant 0 : index
    %get3A_0 = arith.constant 0 : index
    %get3A_1 = arith.constant 0 : index
    %get3A_2 = vector.load %arg1[%get3A, %get3A_0, %get3A_1] : memref<2x2000x128xf32, #tpu.memory_space<vmem>>, vector<2x2000x128xf32>
    %slice3A = vector.extract_strided_slice %get3A_2 {offsets = [0, 0, 0], sizes = [1, 2000, 128], strides = [1, 1, 1]} : vector<2x2000x128xf32> to vector<1x2000x128xf32>
    %squeeze3A = vector.shape_cast %slice3A : vector<1x2000x128xf32> to vector<2000x128xf32>
    %slice3A_3 = vector.extract_strided_slice %get3A_2 {offsets = [1, 0, 0], sizes = [1, 2000, 128], strides = [1, 1, 1]} : vector<2x2000x128xf32> to vector<1x2000x128xf32>
    %squeeze3A_4 = vector.shape_cast %slice3A_3 : vector<1x2000x128xf32> to vector<2000x128xf32>
    %add3A = arith.addf %squeeze3A, %squeeze3A_4 : vector<2000x128xf32>
    %get3A_5 = arith.constant 0 : index
    %get3A_6 = arith.constant 0 : index
    %get3A_7 = vector.load %arg2[%get3A_5, %get3A_6] : memref<2000x1xf32, #tpu.memory_space<vmem>>, vector<2000x1xf32>
    %swap3A = arith.constant 0 : index
    %swap3A_8 = arith.constant 0 : index
    %swap3A_9 = vector.load %arg8[%swap3A, %swap3A_8] : memref<2000x1xf32, #tpu.memory_space<vmem>>, vector<2000x1xf32>
    tpu.vector_store %arg8[%swap3A, %swap3A_8], %get3A_7 {strides = array<i32>} : memref<2000x1xf32, #tpu.memory_space<vmem>>, vector<2000x1xf32>,
    %max3A = arith.constant 1.000000e+00 : f32
    %max3A_10 = vector.broadcast %max3A : f32 to vector<2000x1xf32>
    %max3A_11 = arith.maximumf %get3A_7, %max3A_10 : vector<2000x1xf32>
    %div3A = vector.broadcast %max3A_11 : vector<2000x1xf32> to vector<2000x128xf32>
    %div3A_12 = arith.divf %add3A, %div3A : vector<2000x128xf32>
    %get3A_13 = arith.constant 0 : index
    %get3A_14 = arith.constant 0 : index
    %get3A_15 = vector.load %arg4[%get3A_13, %get3A_14] : memref<128x128xf32, #tpu.memory_space<vmem>>, vector<128x128xf32>
    %dot_general3A = arith.constant dense<0.000000e+00> : vector<2000x128xf32>
    %dot_general3A_16 = tpu.matmul %div3A_12, %get3A_15, %dot_general3A {dimension_numbers = #tpu.dot_dimension_numbers<[1], [0], [0], [1], [0, 0, 1, 1], [], []>, precision = #tpu.contract_precision<fp32>, transpose_lhs_hint = false} : vector<2000x128xf32>, vector<128x128xf32>, vector<2000x128xf32> -> vector<2000x128xf32>
    %get3A_17 = arith.constant 0 : index
    %get3A_18 = arith.constant 0 : index
    %get3A_19 = vector.load %arg5[%get3A_17, %get3A_18] : memref<1x128xf32, #tpu.memory_space<vmem>>, vector<1x128xf32>
    %add3A_20 = vector.broadcast %get3A_19 : vector<1x128xf32> to vector<2000x128xf32>
    %add3A_21 = arith.addf %dot_general3A_16, %add3A_20 : vector<2000x128xf32>
    %get3A_22 = arith.constant 0 : index
    %get3A_23 = arith.constant 0 : index
    %get3A_24 = vector.load %arg3[%get3A_22, %get3A_23] : memref<2000x128xf32, #tpu.memory_space<vmem>>, vector<2000x128xf32>
    %get3A_25 = arith.constant 0 : index
    %get3A_26 = arith.constant 0 : index
    %get3A_27 = vector.load %arg6[%get3A_25, %get3A_26] : memref<128x128xf32, #tpu.memory_space<vmem>>, vector<128x128xf32>
    %dot_general3A_28 = arith.constant dense<0.000000e+00> : vector<2000x128xf32>
    %dot_general3A_29 = tpu.matmul %get3A_24, %get3A_27, %dot_general3A_28 {dimension_numbers = #tpu.dot_dimension_numbers<[1], [0], [0], [1], [0, 0, 1, 1], [], []>, precision = #tpu.contract_precision<fp32>, transpose_lhs_hint = false} : vector<2000x128xf32>, vector<128x128xf32>, vector<2000x128xf32> -> vector<2000x128xf32>
    %add3A_30 = arith.addf %add3A_21, %dot_general3A_29 : vector<2000x128xf32>
    %swap3A_31 = arith.constant 0 : index
    %swap3A_32 = arith.constant 0 : index
    %swap3A_33 = vector.load %arg7[%swap3A_31, %swap3A_32] : memref<2000x128xf32, #tpu.memory_space<vmem>>, vector<2000x128xf32>
    tpu.vector_store %arg7[%swap3A_31, %swap3A_32], %add3A_30 {strides = array<i32>} : memref<2000x128xf32, #tpu.memory_space<vmem>>, vector<2000x128xf32>,
    return
  }
  func.func @transform_0(%arg0: i32) -> (i32, i32, i32) {
    %c0_i32 = arith.constant 0 : i32
    %c0_i32_0 = arith.constant 0 : i32
    %c0_i32_1 = arith.constant 0 : i32
    return %c0_i32, %arg0, %c0_i32_0 : i32, i32, i32
  }
  func.func @transform_1(%arg0: i32) -> (i32, i32) {
    %c0_i32 = arith.constant 0 : i32
    %c0_i32_0 = arith.constant 0 : i32
    return %arg0, %c0_i32 : i32, i32
  }
  func.func @transform_2(%arg0: i32) -> (i32, i32) {
    %c0_i32 = arith.constant 0 : i32
    %c0_i32_0 = arith.constant 0 : i32
    return %arg0, %c0_i32 : i32, i32
  }
  func.func @transform_3(%arg0: i32) -> (i32, i32) {
    %c0_i32 = arith.constant 0 : i32
    %c0_i32_0 = arith.constant 0 : i32
    %c0_i32_1 = arith.constant 0 : i32
    return %c0_i32, %c0_i32_0 : i32, i32
  }
  func.func @transform_4(%arg0: i32) -> (i32, i32) {
    %c0_i32 = arith.constant 0 : i32
    %c0_i32_0 = arith.constant 0 : i32
    %c0_i32_1 = arith.constant 0 : i32
    return %c0_i32, %c0_i32_0 : i32, i32
  }
  func.func @transform_5(%arg0: i32) -> (i32, i32) {
    %c0_i32 = arith.constant 0 : i32
    %c0_i32_0 = arith.constant 0 : i32
    %c0_i32_1 = arith.constant 0 : i32
    return %c0_i32, %c0_i32_0 : i32, i32
  }
  func.func @transform_6(%arg0: i32) -> (i32, i32) {
    %c0_i32 = arith.constant 0 : i32
    %c0_i32_0 = arith.constant 0 : i32
    return %arg0, %c0_i32 : i32, i32
  }
  func.func @transform_7(%arg0: i32) -> (i32, i32) {
    %c0_i32 = arith.constant 0 : i32
    %c0_i32_0 = arith.constant 0 : i32
    return %arg0, %c0_i32 : i32, i32
  }
}

</mosaic_0001>

<sc_bundles>
// kernel: kernel.10.cloned.1.call-start
scs
__scs_entry_jumppad:
0x0: {  	(pc) =	sbr.rel $0x88, $3  }
0x1: {  	(tag) =	ssettag $0x0;
	lr =	simm.s32 $0x1  }
0x2: {  	[smem:$0x3F99] =	sst lr;
	_ =	strace $0xD0000000  }
0x3: {  	_ = 	snop  }
0x4: {  	_ = 	snop  }
0x5: {  	_ = 	snop  }
0x6: {  	_ = 	snop  }
0x7: {  	_ = 	snop  }
__scs_overlays_trampoline_lowered:
0x8: {  	[smem:$0x3FA8] =	sst s0  }
0x9: {  	[smem:$0x3FA9] =	sst s1  }
0xa: {  	[smem:$0x3FAA] =	sst s2  }
0xb: {  	[smem:$0x3FAB] =	sst s3  }
0xc: {  	[smem:$0x3FAC] =	sst s4  }
0xd: {  	[smem:$0x3FAD] =	sst s5  }
0xe: {  	[smem:$0x3FAE] =	sst s6  }
0xf: {  	[smem:$0x3FAF] =	sst s7  }
0x10: {  	[smem:$0x3FB0] =	sst s8  }
0x11: {  	[smem:$0x3FB1] =	sst s9;
	s0 =	simm.s32 @!p0 $0x0  }
0x12: {  	s1 =	sld [smem:$0x3F97];
	s0 =	simm.s32 @p0 $0x1  }
0x13: {  	[smem:$0x3FB2] =	sst s0;
	s0 =	simm.s32 @!p1 $0x0  }
0x14: {  	s2 =	sld [smem:$0x3F96];
	s0 =	simm.s32 @p1 $0x1  }
0x15: {  	[smem:$0x3FB3] =	sst s0;
	s0 =	simm.s32 @!p2 $0x0  }
0x16: {  	s3 =	sld [smem:$0x3FDB];
	s0 =	simm.s32 @p2 $0x1  }
0x17: {  	s4 =	simm.s32 $0x1BF5;
	[smem:$0x3FB5] =	sst s0  }
0x18: {  	s0 =	sld [smem:$0x3F98];
	_ =	swait.ge [sflag:s4], $0x0  }
0x19: {  	s7 =	sld [smem:$0x3F99]  }
0x1a: {  	s8 =	sadd.s32 $0xFFFFE003, lr  }
0x1b: {  	s9 =	sadd.s32 $0xFFFFFEF7, lr;
	s5 =	simm.s32 $0xFFFFFFFF;
	p2 =	slt.u32 s8, $0xFFFFF086  }
0x1c: {  	p1 =	slt.u32 s9, $0xF7A;
	s5 =	simm.s32 @!p2 $0x0  }
0x1d: {  	s5 =	simm.s32 @p1 $0x1;
	p0 =	seq.s32 s7, s2  }
0x1e: {  	s7 =	smul.u32 @!p0 $0xF7A, s2;
	p2 =	seq.s32 @!p0 s5, $0x0  }
0x1f: {  	s9 =	smul.u32 $0xF7A, s1;
	s8 =	simm.s32 @!p0 $0x1BF5;
	p2 =	por !p2, p0  }
0x20: {  	[sflag:s8] =	ssyncset.s32 @!p0 $0xFFFFF086;
	s6 =	sadd.s32 @!p0 s3, s7;
	s7 =	simm.s32 @!p0 $0x108  }
0x21: {  	s3 =	sadd.s32 s3, s9;
	s6 =	sadd.s32 @!p0 $0x88, s6;
	s7 =	simm.s32 @p2 $0x1082  }
0x22: {  	[simem:s7], [sflag:s8] =	dma.local @!p0 [hbm:s6], $0xF7A  }
0x23: {  	s9 =	sor.u32 $0xD0000000, s2;
	s6 =	simm.s32 $0x108;
	_ =	swait.ge @!p0 [sflag:s8], $0x0  }
0x24: {  	s3 =	sadd.s32 $0x88, s3;
	s6 =	simm.s32 @!p1 $0x1082;
	[sflag:s4] =	ssyncset.s32 $0xFFFFF086  }
0x25: {  	[simem:s6], [sflag:s4] =	dma.local [hbm:s3], $0xF7A  }
0x26: {  	[smem:$0x3F99] =	sst s1;
	(tag) =	ssettag s2;
	_ =	strace s9  }
0x27: {  	s1 =	sld [smem:$0x3FA9]  }
0x28: {  	s2 =	sld [smem:$0x3FAA]  }
0x29: {  	s4 =	sld [smem:$0x3FAC]  }
0x2a: {  	p0 =	seq.s32 s5, $0x0;
	s5 =	sld [smem:$0x3FAD]  }
0x2b: {  	s6 =	sld [smem:$0x3FAE]  }
0x2c: {  	s7 =	sld [smem:$0x3FAF]  }
0x2d: {  	s3 =	simm.s32 $0x108;
	s8 =	sld [smem:$0x3FB0]  }
0x2e: {  	s3 =	simm.s32 @!p0 $0x1082;
	s9 =	sld [smem:$0x3FB1]  }
0x2f: {  	lr =	sadd.s32 s0, s3;
	s0 =	sld [smem:$0x3FA8]  }
0x30: {  	s3 =	sld [smem:$0x3FAB]  }
0x31: {  	[smem:$0x3FB4] =	sst s10  }
0x32: {  	s10 =	sld [smem:$0x3FB2];
	_ =	sdelay $0x3  }
0x33: {  	p0 =	seq.s32 s10, $0x1;
	s10 =	sld [smem:$0x3FB4];
	_ =	sdelay $0x3  }
0x34: {  	[smem:$0x3FB4] =	sst s10  }
0x35: {  	s10 =	sld [smem:$0x3FB3];
	_ =	sdelay $0x3  }
0x36: {  	p1 =	seq.s32 s10, $0x1;
	s10 =	sld [smem:$0x3FB4];
	_ =	sdelay $0x3  }
0x37: {  	[smem:$0x3FB4] =	sst s10  }
0x38: {  	s10 =	sld [smem:$0x3FB5]  }
0x39: {  	_ = 	snop;
	(pc) =	sbr.ind lr, $3  }
0x3a: {  	_ = 	snop  }
0x3b: {  	_ = 	snop  }
0x3c: {  	p2 =	seq.s32 s10, $0x1;
	s10 =	sld [smem:$0x3FB4]  }
0x3d: {  	_ =	shalt  }
0x3e: {  	_ =	shalt  }
0x3f: {  	_ =	shalt  }
0x40: {  	_ =	shalt  }
0x41: {  	_ =	shalt  }
0x42: {  	_ =	shalt  }
0x43: {  	_ =	shalt  }
0x44: {  	_ =	shalt  }
0x45: {  	_ =	shalt  }
0x46: {  	_ =	shalt  }
0x47: {  	_ =	shalt  }
0x48: {  	_ =	shalt  }
0x49: {  	_ =	shalt  }
0x4a: {  	_ =	shalt  }
0x4b: {  	_ =	shalt  }
0x4c: {  	_ =	shalt  }
0x4d: {  	_ =	shalt  }
0x4e: {  	_ =	shalt  }
0x4f: {  	_ =	shalt  }
0x50: {  	_ =	shalt  }
0x51: {  	_ =	shalt  }
0x52: {  	_ =	shalt  }
0x53: {  	_ =	shalt  }
0x54: {  	_ =	shalt  }
0x55: {  	_ =	shalt  }
0x56: {  	_ =	shalt  }
0x57: {  	_ =	shalt  }
0x58: {  	_ =	shalt  }
0x59: {  	_ =	shalt  }
0x5a: {  	_ =	shalt  }
0x5b: {  	_ =	shalt  }
0x5c: {  	_ =	shalt  }
0x5d: {  	_ =	shalt  }
0x5e: {  	_ =	shalt  }
0x5f: {  	_ =	shalt  }
0x60: {  	_ =	shalt  }
0x61: {  	_ =	shalt  }
0x62: {  	_ =	shalt  }
0x63: {  	_ =	shalt  }
0x64: {  	_ =	shalt  }
0x65: {  	_ =	shalt  }
0x66: {  	_ =	shalt  }
0x67: {  	_ =	shalt  }
0x68: {  	_ =	shalt  }
0x69: {  	_ =	shalt  }
0x6a: {  	_ =	shalt  }
0x6b: {  	_ =	shalt  }
0x6c: {  	_ =	shalt  }
0x6d: {  	_ =	shalt  }
0x6e: {  	_ =	shalt  }
0x6f: {  	_ =	shalt  }
0x70: {  	_ =	shalt  }
0x71: {  	_ =	shalt  }
0x72: {  	_ =	shalt  }
0x73: {  	_ =	shalt  }
0x74: {  	_ =	shalt  }
0x75: {  	_ =	shalt  }
0x76: {  	_ =	shalt  }
0x77: {  	_ =	shalt  }
0x78: {  	_ =	shalt  }
0x79: {  	_ =	shalt  }
0x7a: {  	_ =	shalt  }
0x7b: {  	_ =	shalt  }
0x7c: {  	_ =	shalt  }
0x7d: {  	_ =	shalt  }
0x7e: {  	_ =	shalt  }
0x7f: {  	_ =	shalt  }
0x80: {  	_ =	shalt  }
0x81: {  	_ =	shalt  }
0x82: {  	_ =	shalt  }
0x83: {  	_ =	shalt  }
0x84: {  	_ =	shalt  }
0x85: {  	_ =	shalt  }
0x86: {  	_ =	shalt  }
0x87: {  	_ =	shalt  }
.Lfunc_end0:
.L_simem_size_0:
called_computation.1_lowered:
.L_overlay_start_0:
0x88: {  	s2 =	sld [smem:$0x3FD9]  }
0x89: {  	s3 =	sld [smem:$0x3FFE];
	_ =	sdelay $0x1  }
0x8a: {  	s1 =	srdreg.scid  }
0x8b: {  	s0 =	sand.u32 $0x1, s1  }
0x8c: {  	s17 =	sshll.u32 s0, $0xA;
	s2 =	sadd.s32 s3, s2  }
0x8d: {  	s2 =	sadd.s32 s2, s17  }
0x8e: {  	[smem:$0x3FC0] =	sst s2  }
0x8f: {  	_ = 	snop  }
0x90: {  	(tm) =	ssettm $0x1  }
0x91: {  	s18 =	sld [smem:$0x3FFB];
	_ =	sdelay $0x3  }
0x92: {  	_ =	strace s18  }
0x93: {  	s2 =	sld [smem:$0x3FFC];
	_ =	sdelay $0x3  }
0x94: {  	_ =	strace s2  }
0x95: {  	s2 =	sld [smem:$0x3FFD];
	_ =	sdelay $0x3  }
0x96: {  	_ =	strace s2  }
0x97: {  	_ =	strace $0x8FFFFFFF  }
0x98: {  	s19 =	sld [smem:$0x3FDB];
	_ =	sdelay $0x1  }
0x99: {  	s20 =	simm.s32 $_scs_section_size  }
0x9a: {  	s4 =	simm.s32 $_size__tile_overlayer_lowered;
	s5 =	simm.s32 $_tile_overlayer_lowered  }
0x9b: {  	s6 =	simm.s32 $0x1BFF;
	s21 =	sshll.u32 s5, $0x1;
	s3 =	sadd.s32 s20, s19  }
0x9c: {  	s22 =	simm.s32 $0x0;
	s4 =	sshll.u32 s4, $0x1;
	s5 =	sadd.s32 s21, s3  }
0x9d: {  	[timem:s22], [sflag:s6] =	dma.local [hbm:s5], s4  }
0x9e: {  	_ =	swait.ge [sflag:s6], s4  }
0x9f: {  	s4 =	ssub.s32 $0x0, s4;
	[sflag:s6] =	ssyncset.done $0x0  }
0xa0: {  	[sflag:s6] =	ssyncadd.s32 s4;
	_ =	sdelay $0x1  }
0xa1: {  	s23 =	simm.s32 $0x1B8B  }
0xa2: {  	_ =	swait.ge [sflag:s23], $0x1  }
0xa3: {  	[sflag:s23] =	ssyncset.done $0x0  }
0xa4: {  	[sflag:s23] =	ssyncadd.s32 $0xFFFFFFFF  }
0xa5: {  	s4 =	sld [smem:$0x0]  }
0xa6: {  	s5 =	sand.u32 $0xFFFFFFFE, s1  }
0xa7: {  	p0 =	sne.s32 s1, s5  }
0xa8: {  	s5 =	sshll.u32 @p0 s5, $0xE  }
0xa9: {  	s5 =	sadd.s32 @p0 $0x11B8D, s5;
	s6 =	sshll.u32 @p0 s4, $0x11  }
0xaa: {  	s5 =	sor.u32 @p0 s6, s5  }
0xab: {  	[sflag:s5] =	ssyncadd.remote.s32 @p0 $0x1;
	_ =	sdelay $0x1  }
0xac: {  	s5 =	simm.s32 @p0 $0x1B8D  }
0xad: {  	_ =	swait.eq @p0 [sflag:s5], $0x1  }
0xae: {  	[sflag:s5] =	ssyncadd.s32 @p0 $0xFFFFFFFF  }
0xaf: {  	s6 =	sshll.u32 @!p0 s1, $0xE  }
0xb0: {  	s6 =	sor.u32 @!p0 $0x4000, s6;
	s5 =	simm.s32 @!p0 $0x1B8D  }
0xb1: {  	s4 =	sshll.u32 @!p0 s4, $0x11;
	s6 =	sadd.s32 @!p0 $0x11B8D, s6;
	_ =	swait.eq @!p0 [sflag:s5], $0x1  }
0xb2: {  	s4 =	sor.u32 @!p0 s4, s6;
	[sflag:s5] =	ssyncadd.s32 @!p0 $0xFFFFFFFF  }
0xb3: {  	s25 =	simm.s32 $0x1B8E;
	s24 =	sld [smem:$0x3FFE];
	[sflag:s4] =	ssyncadd.remote.s32 @!p0 $0x1  }
0xb4: {  	s26 =	simm.s32 $execute0_lowered;
	[smem:$0x3FD2] =	sst s25  }
0xb5: {  	s5 =	sshll.u32 s26, $0x1;
	_ =	strace $0x80000049;
	[dreg:$0x1] =	wrdreg $0xFFFFFFFF  }
0xb6: {  	s28 =	simm.s32 $_size_execute0_lowered;
	s3 =	sadd.s32 s3, s5;
	[dreg:$0x0] =	wrdreg $0x0  }
0xb7: {  	s5 =	sshll.u32 s28, $0x1;
	[dreg:$0x2] =	wrdreg s3  }
0xb8: {  	[dreg:$0x3] =	wrdreg s5  }
0xb9: {  	[dreg:$0x4] =	wrdreg $0xC0  }
0xba: {  	_ =	task [dreg:s22], $0x5FFFF  }
0xbb: {  	[dreg:$0x1] =	wrdreg $0xFFFFFFFF  }
0xbc: {  	[dreg:$0x0] =	wrdreg $0x60  }
0xbd: {  	[dreg:$0x2] =	wrdreg s24  }
0xbe: {  	[dreg:$0x3] =	wrdreg $0x0  }
0xbf: {  	[dreg:$0x4] =	wrdreg $0xA  }
0xc0: {  	_ =	task.clear_ibuf [dreg:s22], $0x5FFFF;
	_ =	strace $0x90000049  }
0xc1: {  	s29 =	simm.s32 $0xA;
	_ =	strace $0x8000004B  }
0xc2: {  	_ =	swait.ge [sflag:s29], $0x1  }
0xc3: {  	[sflag:s29] =	ssyncadd.s32 $0xFFFFFFFF  }
0xc4: {  	_ =	strace $0x9000004B  }
0xc5: {  	_ =	sfence  }
0xc6: {  	s30 =	sld [smem:$0x0];
	_ =	sdelay $0x2  }
0xc7: {  	s31 =	sshll.u32 s1, $0xD;
	s1 =	sshrl.u32 s1, $0x2  }
0xc8: {  	s4 =	sand.u32 $0x4000, s31;
	s1 =	sadd.s32 s1, s30  }
0xc9: {  	s0 =	sor.u32 s4, s0;
	s1 =	sshll.u32 s1, $0x11  }
0xca: {  	s0 =	sor.u32 s1, s0  }
0xcb: {  	s0 =	sadd.s32 $0x8F2B, s0  }
0xcc: {  	[sflag:s0] =	ssyncadd.remote.s32 $0x1  }
0xcd: {  	_ =	sfence.sel $0xFFFF  }
0xce: {  	[dreg:$0x0] =	wrdreg $0xFFFFFFFF;
	(pc) =	sbr.abs _section_cstart, $3  }
0xcf: {  	[dreg:$0x1] =	wrdreg $0xFFFFFFFF  }
0xd0: {  	_ =	task.clear_ibuf [dreg:s22], $0x2FFFF;
	_ =	strace $0x9FFFFFFF  }
0xd1: {  	(tm) =	ssettm $0x7FFFFFFF  }
tec
execute0_lowered:
.L_overlay_start_1:
0x0: {  	(tag) =	ssettag $0x1  }
0x1: {  	s4 =	rddreg [dreg:$0x0];
	s0 =	srdreg.scid  }
0x2: {  	s2 =	rddreg [dreg:$0x1];
	s1 =	stileid.u32  }
0x3: {  	s3 =	simm.s32 $0x0;
	s10 =	simm.s32 $0x14100;
	s11 =	simm.s32 $0x1  }
0x4: {  	s12 =	simm.s32 $0x14000;
	s5 =	sand.u32 $0x1, s0;
	s7 =	smul.u32 $0x14000, s1  }
0x5: {  	s13 =	simm.s32 $0x0;
	s0 =	rddreg [dreg:$0x2];
	s6 =	smul.u32 $0x140000, s5  }
0x6: {  	[smem:$0x7FF] =	sst s3;
	s8 =	smul.u32 $0x4F00, s5;
	s5 =	ssub.s32 $0x2, s5  }
0x7: {  	s29 =	smul.u32 $0x4F0, s1;
	_ =	strace $0x8000004A;
	s30 =	sshrl.u32 s5, $0x1  }
0x8: {  	s6 =	sadd.s32 s7, s6;
	s8 =	sadd.s32 s8, s4;
	s5 =	ssub.s32 s5, s30  }
0x9: {  	s6 =	sshrl.u32 s6, $0x3;
	s31 =	sadd.s32 s29, s8;
	s5 =	smax.u32 s5, $0x1  }
0xa: {  	s8 =	simm.s32 $0x80;
	s9 =	sadd.s32 s6, s4;
	s4 =	smul.u32 $0x280, s1  }
0xb: {  	v0 =	vimm.f32 $0.0e+00;
	v1 =	vlaneseq.u32;
	v2 =	vimm.f32 $1.000000000e+00;
	s6 =	sadd.s32 $0x2800, s31;
	s7 =	sadd.s32 $0x66400, s9;
	s9 =	simm.s32 $0x14080  }
.LBB2_1:
0xc: {  	s14 =	simm.s32 $0x0;
	s15 =	simm.s32 $0x200  }
.LBB2_2:
0xd: {  	p0 =	sne.s32 s15, $0xFE00;
	[tilespmem:s14+$0x14170] =	vst v0  }
0xe: {  	[tilespmem:s14+$0x14100] =	vst v0  }
0xf: {  	[tilespmem:s14+$0x14110] =	vst v0  }
.Ltmp0:
0x10: {  	[tilespmem:s14+$0x14120] =	vst v0;
	(pc) =	sbr.rel @p0 .LBB2_2-.Ltmp0, $4  }
0x11: {  	[tilespmem:s14+$0x14130] =	vst v0  }
0x12: {  	[tilespmem:s14+$0x14140] =	vst v0  }
0x13: {  	[tilespmem:s14+$0x14150] =	vst v0  }
0x14: {  	[tilespmem:s14+$0x14160] =	vst v0;
	s14 =	sshra.s32 s15, $0x2;
	s15 =	sadd.s32 $0x200, s15  }
0x15: {  	[tilespmem:s14+$0x14170] =	vst v0  }
0x16: {  	[tilespmem:s14+$0x14100] =	vst v0  }
0x17: {  	[tilespmem:s14+$0x14110] =	vst v0  }
0x18: {  	[tilespmem:s14+$0x14120] =	vst v0  }
0x19: {  	[tilespmem:s14+$0x14130] =	vst v0  }
0x1a: {  	[tilespmem:s14+$0x14140] =	vst v0  }
0x1b: {  	[tilespmem:s14+$0x14150] =	vst v0;
	s15 =	sadd.s32 $0x0, s4  }
0x1c: {  	[tilespmem:s14+$0x14160] =	vst v0;
	v3 =	vor.u32 s15, v1;
	s26 =	sadd.s32 $0x70, s15  }
0x1d: {  	s16 =	sadd.s32 $0x60, s15;
	[tilespmem:$0x14080] =	vst v3;
	v3 =	vor.u32 s26, v1  }
0x1e: {  	s30 =	sadd.s32 $0x30, s15;
	v4 =	vor.u32 s16, v1;
	[tilespmem:$0x140F0] =	vst v3  }
0x1f: {  	s28 =	sadd.s32 $0x50, s15;
	v5 =	vor.u32 s30, v1;
	[tilespmem:$0x140E0] =	vst v4  }
0x20: {  	s29 =	sadd.s32 $0x40, s15;
	v3 =	vor.u32 s28, v1;
	[tilespmem:$0x140B0] =	vst v5  }
0x21: {  	s31 =	sadd.s32 $0x20, s15;
	v4 =	vor.u32 s29, v1;
	[tilespmem:$0x140D0] =	vst v3  }
0x22: {  	s14 =	simm.s32 $0x80;
	s15 =	sadd.s32 $0x10, s15;
	[tilespmem:$0x140C0] =	vst v4;
	v3 =	vor.u32 s31, v1  }
.LBB2_4:
0x23: {  	p0 =	sne.s32 s14, $0x200;
	v4 =	vor.u32 s15, v1;
	[tilespmem:$0x140A0] =	vst v3  }
0x24: {  	[tilespmem:$0x14090] =	vst v4;
	[spmem:s2] =	stream.indirect.scatter [tilespmem:s10], [sflag:$0x1], $0x80, s9, s8, $0xb8  }
0x25: {  	_ =	swait.ge [sflag:s11], $0x4000  }
0x26: {  	s15 =	sadd.s32 s14, s4;
	[sflag:s11] =	ssyncset.done $0x0  }
0x27: {  	v3 =	vor.u32 s15, v1;
	s16 =	sadd.s32 $0x70, s15;
	[sflag:s11] =	ssyncadd.s32 $0xFFFFC000  }
0x28: {  	s17 =	sadd.s32 $0x60, s15;
	[tilespmem:$0x14080] =	vst v3;
	v3 =	vor.u32 s16, v1  }
.Ltmp1:
0x29: {  	v4 =	vor.u32 s17, v1;
	s16 =	sadd.s32 $0x50, s15;
	[tilespmem:$0x140F0] =	vst v3;
	(pc) =	sbr.rel @p0 .LBB2_4-.Ltmp1, $4  }
0x2a: {  	s17 =	sadd.s32 $0x40, s15;
	v3 =	vor.u32 s16, v1;
	[tilespmem:$0x140E0] =	vst v4  }
0x2b: {  	s16 =	sadd.s32 $0x30, s15;
	v4 =	vor.u32 s17, v1;
	[tilespmem:$0x140D0] =	vst v3  }
0x2c: {  	s17 =	sadd.s32 $0x20, s15;
	v5 =	vor.u32 s16, v1;
	[tilespmem:$0x140C0] =	vst v4  }
0x2d: {  	s14 =	sadd.s32 $0x80, s14;
	s15 =	sadd.s32 $0x10, s15;
	v3 =	vor.u32 s17, v1;
	[tilespmem:$0x140B0] =	vst v5  }
0x2e: {  	v4 =	vor.u32 s15, v1;
	[tilespmem:$0x140A0] =	vst v3  }
0x2f: {  	[tilespmem:$0x14090] =	vst v4  }
0x30: {  	[spmem:s2] =	stream.indirect.scatter [tilespmem:s10], [sflag:$0x1], $0x80, s9, s8, $0xb8;
	[tilespmem:$0x18100] =	vst v63  }
0x31: {  	_ =	swait.ge [sflag:s11], $0x4000  }
0x32: {  	[sflag:s11] =	ssyncset.done $0x0  }
0x33: {  	s14 =	simm.s32 $0x0;
	s15 =	simm.s32 $0x200;
	[sflag:s11] =	ssyncadd.s32 $0xFFFFC000  }
.LBB2_6:
0x34: {  	p0 =	sne.s32 s15, $0xFE00;
	[tilespmem:s14+$0x14170] =	vst v2  }
0x35: {  	[tilespmem:s14+$0x14100] =	vst v2  }
0x36: {  	[tilespmem:s14+$0x14110] =	vst v2  }
.Ltmp2:
0x37: {  	[tilespmem:s14+$0x14120] =	vst v2;
	(pc) =	sbr.rel @p0 .LBB2_6-.Ltmp2, $4  }
0x38: {  	[tilespmem:s14+$0x14130] =	vst v2  }
0x39: {  	[tilespmem:s14+$0x14140] =	vst v2  }
0x3a: {  	[tilespmem:s14+$0x14150] =	vst v2  }
0x3b: {  	[tilespmem:s14+$0x14160] =	vst v2;
	s14 =	sshra.s32 s15, $0x2;
	s15 =	sadd.s32 $0x200, s15  }
0x3c: {  	[tilespmem:s14+$0x14170] =	vst v2  }
0x3d: {  	[tilespmem:s14+$0x14100] =	vst v2  }
0x3e: {  	[tilespmem:s14+$0x14110] =	vst v2  }
0x3f: {  	[tilespmem:s14+$0x14120] =	vst v2  }
0x40: {  	[tilespmem:s14+$0x14130] =	vst v2  }
0x41: {  	[tilespmem:s14+$0x14140] =	vst v2  }
0x42: {  	[tilespmem:s14+$0x14150] =	vst v2  }
0x43: {  	[tilespmem:s14+$0x14160] =	vst v2  }
0x44: {  	s31 =	sadd.s32 $0x0, s6;
	[bflag:$0x0] =	sbarrier.arrive $0xFFFF  }
0x45: {  	[tilespmem:s12], [sflag:$0x1] =	stream.linear.gather [hbm4b:s31+s3], $0x80, $0x38;
	[tilespmem:$0x18100] =	vst v63  }
0x46: {  	_ =	swait.ge [sflag:s11], $0x80  }
0x47: {  	[sflag:s11] =	ssyncset.done $0x0  }
0x48: {  	[sflag:s11] =	ssyncadd.s32 $0xFFFFFF80  }
0x49: {  	[spmem:s2] =	stream.indirect.scatter.add.f32 [tilespmem:s10], [sflag:$0x1], $0x80, s12, s8, $0xb8;
	[tilespmem:$0x18100] =	vst v63  }
0x4a: {  	_ =	swait.ge [sflag:s11], $0x4000  }
0x4b: {  	s14 =	simm.s32 $0x10;
	s15 =	simm.s32 $0x20;
	[sflag:s11] =	ssyncset.done $0x0  }
.LBB2_8:
0x4c: {  	s16 =	sadd.s32 s14, s6  }
0x4d: {  	[sflag:s11] =	ssyncadd.s32 $0xFFFFC000;
	s14 =	smov.u32 s15;
	s17 =	sadd.s32 $0x10, s15  }
0x4e: {  	[tilespmem:s12], [sflag:$0x1] =	stream.linear.gather [hbm4b:s16+s3], $0x80, $0x38;
	[tilespmem:$0x18100] =	vst v63  }
0x4f: {  	p0 =	sne.s32 s15, $0x4E0;
	_ =	swait.ge [sflag:s11], $0x80  }
.Ltmp3:
0x50: {  	[sflag:s11] =	ssyncset.done $0x0;
	(pc) =	sbr.rel @p0 .LBB2_8-.Ltmp3, $4  }
0x51: {  	[sflag:s11] =	ssyncadd.s32 $0xFFFFFF80  }
0x52: {  	[spmem:s2] =	stream.indirect.scatter.add.f32 [tilespmem:s10], [sflag:$0x1], $0x80, s12, s8, $0xb8;
	[tilespmem:$0x18100] =	vst v63  }
0x53: {  	_ =	swait.ge [sflag:s11], $0x4000  }
0x54: {  	s15 =	smov.u32 s17;
	[sflag:s11] =	ssyncset.done $0x0  }
0x55: {  	s14 =	sadd.s32 s14, s6;
	[sflag:s11] =	ssyncadd.s32 $0xFFFFC000  }
0x56: {  	[tilespmem:s12], [sflag:$0x1] =	stream.linear.gather [hbm4b:s14+s3], $0x80, $0x38;
	[tilespmem:$0x18100] =	vst v63  }
0x57: {  	_ =	swait.ge [sflag:s11], $0x80  }
0x58: {  	[sflag:s11] =	ssyncset.done $0x0  }
0x59: {  	[sflag:s11] =	ssyncadd.s32 $0xFFFFFF80  }
0x5a: {  	[spmem:s2] =	stream.indirect.scatter.add.f32 [tilespmem:s10], [sflag:$0x1], $0x80, s12, s8, $0xb8;
	[tilespmem:$0x18100] =	vst v63  }
0x5b: {  	_ =	swait.ge [sflag:s11], $0x4000  }
0x5c: {  	[sflag:s11] =	ssyncset.done $0x0  }
0x5d: {  	s26 =	sadd.s32 $0x0, s4;
	[sflag:s11] =	ssyncadd.s32 $0xFFFFC000  }
0x5e: {  	v3 =	vor.u32 s26, v1;
	s16 =	sadd.s32 $0x20, s26;
	[bflag:$0x0] =	sbarrier.arrive $0xFFFF  }
0x5f: {  	s30 =	sadd.s32 $0x40, s26;
	v4 =	vor.u32 s16, v1;
	[tilespmem:$0x14080] =	vst v3  }
0x60: {  	s14 =	sadd.s32 $0x30, s26;
	v62 =	vor.u32 s30, v1;
	[tilespmem:$0x140A0] =	vst v4  }
0x61: {  	s15 =	sadd.s32 $0x10, s26;
	v63 =	vor.u32 s14, v1;
	[tilespmem:$0x140C0] =	vst v62  }
0x62: {  	s28 =	sadd.s32 $0x70, s26;
	v3 =	vor.u32 s15, v1;
	[tilespmem:$0x140B0] =	vst v63  }
0x63: {  	s29 =	sadd.s32 $0x50, s26;
	[tilespmem:$0x14090] =	vst v3;
	v3 =	vor.u32 s28, v1  }
0x64: {  	s31 =	sadd.s32 $0x60, s26;
	[tilespmem:$0x140F0] =	vst v3;
	v3 =	vor.u32 s29, v1  }
0x65: {  	[tilespmem:$0x140D0] =	vst v3;
	v3 =	vor.u32 s31, v1  }
0x66: {  	s14 =	simm.s32 $0x80;
	s16 =	smov.u32 s7;
	s15 =	smov.u32 s7;
	[tilespmem:$0x140E0] =	vst v3  }
0x67: {  	[tilespmem:s10], [sflag:$0x1] =	stream.indirect.gather [spmem:s2], $0x80, s9, s8, $0xb8;
	[tilespmem:$0x18100] =	vst v63  }
.LBB2_10:
0x68: {  	p0 =	sne.s32 s14, $0x200;
	_ =	swait.ge [sflag:s11], $0x4000;
	s16 =	sadd.s32 $0x800, s16  }
0x69: {  	s17 =	smov.u32 s14;
	s14 =	sadd.s32 $0x80, s14;
	[sflag:s11] =	ssyncset.done $0x0  }
0x6a: {  	[sflag:s11] =	ssyncadd.s32 $0xFFFFC000  }
0x6b: {  	[hbm4b:s15+s3] =	stream.linear.scatter [tilespmem:s10], [sflag:$0x1], $0x4000, $0x38;
	[tilespmem:$0x18100] =	vst v63  }
0x6c: {  	s15 =	smov.u32 s16;
	_ =	swait.ge [sflag:s11], $0x4000  }
0x6d: {  	s17 =	sadd.s32 s17, s4;
	[sflag:s11] =	ssyncset.done $0x0  }
0x6e: {  	v3 =	vor.u32 s17, v1;
	s18 =	sadd.s32 $0x10, s17;
	s19 =	sadd.s32 $0x20, s17;
	[sflag:s11] =	ssyncadd.s32 $0xFFFFC000  }
0x6f: {  	s20 =	sadd.s32 $0x70, s17;
	v4 =	vor.u32 s19, v1;
	s19 =	sadd.s32 $0x50, s17;
	[tilespmem:$0x14080] =	vst v3;
	v3 =	vor.u32 s18, v1;
	s18 =	sadd.s32 $0x40, s17  }
0x70: {  	s21 =	sadd.s32 $0x30, s17;
	v6 =	vor.u32 s20, v1;
	v5 =	vor.u32 s19, v1;
	s17 =	sadd.s32 $0x60, s17;
	[tilespmem:$0x14090] =	vst v3;
	v3 =	vor.u32 s18, v1  }
0x71: {  	v7 =	vor.u32 s21, v1;
	v8 =	vor.u32 s17, v1;
	[tilespmem:$0x140F0] =	vst v6  }
0x72: {  	[tilespmem:$0x140A0] =	vst v4  }
.Ltmp4:
0x73: {  	[tilespmem:$0x140D0] =	vst v5;
	(pc) =	sbr.rel @p0 .LBB2_10-.Ltmp4, $4  }
0x74: {  	[tilespmem:$0x140C0] =	vst v3  }
0x75: {  	[tilespmem:$0x140E0] =	vst v8  }
0x76: {  	[tilespmem:$0x140B0] =	vst v7  }
0x77: {  	[tilespmem:s10], [sflag:$0x1] =	stream.indirect.gather [spmem:s2], $0x80, s9, s8, $0xb8;
	[tilespmem:$0x18100] =	vst v63  }
0x78: {  	_ =	swait.ge [sflag:s11], $0x4000;
	s13 =	sadd.s32 $0x1, s13  }
0x79: {  	[sflag:s11] =	ssyncset.done $0x0;
	p0 =	sne.s32 s13, s5  }
.Ltmp5:
0x7a: {  	[sflag:s11] =	ssyncadd.s32 $0xFFFFC000;
	(pc) =	sbr.rel @p0 .LBB2_1-.Ltmp5, $4  }
0x7b: {  	[hbm4b:s15+s3] =	stream.linear.scatter [tilespmem:s10], [sflag:$0x1], $0x4000, $0x38;
	[tilespmem:$0x18100] =	vst v63  }
0x7c: {  	_ =	swait.ge [sflag:s11], $0x4000  }
0x7d: {  	[sflag:s11] =	ssyncset.done $0x0  }
0x7e: {  	[sflag:s11] =	ssyncadd.s32 $0xFFFFC000  }
0x7f: {  	_ =	sfence.sel $0x180000  }
0x80: {  	[bflag:$0x0] =	sbarrier.arrive $0xFFFF  }
0x81: {  	p0 =	sne.s32 s1, $0x0;
	_ =	strace $0x9000004A  }
0x82: {  	s0 =	sadd.s32 @!p0 $0x100000, s0;
	[bflag:$0x2] =	sbarrier.arrive $0xFFFF  }
0x83: {  	[sflag:s0] =	ssyncadd.tile.s32 @!p0 $0x1;
	_ =	shalt  }
.Lfunc_end2:
_tile_overlayer_lowered:
.L_overlay_start_2:
0x84: {  	(tag) =	ssettag $0x2  }
0x85: {  	s0 =	rddreg [dreg:$0x0];
	s2 =	stileid.u32  }
0x86: {  	s1 =	rddreg [dreg:$0x1];
	p0 =	sne.s32 s2, $0x0  }
0x87: {  	s3 =	rddreg [dreg:$0x2];
	[bflag:$0x3] =	sbarrier.arrive $0xFFFF;
	s2 =	simm.s32 @!p0 $0x1C01  }
0x88: {  	[timem:s3], [sflag:s2] =	dma.local @!p0 [hbm:s0], s1  }
0x89: {  	s0 =	simm.s32 @!p0 $0x1  }
0x8a: {  	_ =	swait.ge @!p0 [sflag:s0], s1  }
0x8b: {  	s1 =	ssub.s32 @!p0 $0x0, s1;
	[sflag:s0] =	ssyncset.done @!p0 $0x0  }
0x8c: {  	[sflag:s0] =	ssyncadd.s32 @!p0 s1  }
0x8d: {  	[bflag:$0x3] =	sbarrier.arrive $0xFFFF  }
0x8e: {  	_ =	shalt  }

// kernel: kernel.13.cloned.1.call-start
scs
__scs_entry_jumppad:
0x0: {  	(pc) =	sbr.rel $0x88, $3  }
0x1: {  	(tag) =	ssettag $0x0;
	lr =	simm.s32 $0x1  }
0x2: {  	[smem:$0x3F99] =	sst lr;
	_ =	strace $0xD0000000  }
0x3: {  	_ = 	snop  }
0x4: {  	_ = 	snop  }
0x5: {  	_ = 	snop  }
0x6: {  	_ = 	snop  }
0x7: {  	_ = 	snop  }
__scs_overlays_trampoline_lowered:
0x8: {  	[smem:$0x3FA8] =	sst s0  }
0x9: {  	[smem:$0x3FA9] =	sst s1  }
0xa: {  	[smem:$0x3FAA] =	sst s2  }
0xb: {  	[smem:$0x3FAB] =	sst s3  }
0xc: {  	[smem:$0x3FAC] =	sst s4  }
0xd: {  	[smem:$0x3FAD] =	sst s5  }
0xe: {  	[smem:$0x3FAE] =	sst s6  }
0xf: {  	[smem:$0x3FAF] =	sst s7  }
0x10: {  	[smem:$0x3FB0] =	sst s8  }
0x11: {  	[smem:$0x3FB1] =	sst s9;
	s0 =	simm.s32 @!p0 $0x0  }
0x12: {  	s1 =	sld [smem:$0x3F97];
	s0 =	simm.s32 @p0 $0x1  }
0x13: {  	[smem:$0x3FB2] =	sst s0;
	s0 =	simm.s32 @!p1 $0x0  }
0x14: {  	s2 =	sld [smem:$0x3F96];
	s0 =	simm.s32 @p1 $0x1  }
0x15: {  	[smem:$0x3FB3] =	sst s0;
	s0 =	simm.s32 @!p2 $0x0  }
0x16: {  	s3 =	sld [smem:$0x3FDB];
	s0 =	simm.s32 @p2 $0x1  }
0x17: {  	s4 =	simm.s32 $0x1BF5;
	[smem:$0x3FB5] =	sst s0  }
0x18: {  	s0 =	sld [smem:$0x3F98];
	_ =	swait.ge [sflag:s4], $0x0  }
0x19: {  	s7 =	sld [smem:$0x3F99]  }
0x1a: {  	s8 =	sadd.s32 $0xFFFFE003, lr  }
0x1b: {  	s9 =	sadd.s32 $0xFFFFFEF7, lr;
	s5 =	simm.s32 $0xFFFFFFFF;
	p2 =	slt.u32 s8, $0xFFFFF086  }
0x1c: {  	p1 =	slt.u32 s9, $0xF7A;
	s5 =	simm.s32 @!p2 $0x0  }
0x1d: {  	s5 =	simm.s32 @p1 $0x1;
	p0 =	seq.s32 s7, s2  }
0x1e: {  	s7 =	smul.u32 @!p0 $0xF7A, s2;
	p2 =	seq.s32 @!p0 s5, $0x0  }
0x1f: {  	s9 =	smul.u32 $0xF7A, s1;
	s8 =	simm.s32 @!p0 $0x1BF5;
	p2 =	por !p2, p0  }
0x20: {  	[sflag:s8] =	ssyncset.s32 @!p0 $0xFFFFF086;
	s6 =	sadd.s32 @!p0 s3, s7;
	s7 =	simm.s32 @!p0 $0x108  }
0x21: {  	s3 =	sadd.s32 s3, s9;
	s6 =	sadd.s32 @!p0 $0x88, s6;
	s7 =	simm.s32 @p2 $0x1082  }
0x22: {  	[simem:s7], [sflag:s8] =	dma.local @!p0 [hbm:s6], $0xF7A  }
0x23: {  	s9 =	sor.u32 $0xD0000000, s2;
	s6 =	simm.s32 $0x108;
	_ =	swait.ge @!p0 [sflag:s8], $0x0  }
0x24: {  	s3 =	sadd.s32 $0x88, s3;
	s6 =	simm.s32 @!p1 $0x1082;
	[sflag:s4] =	ssyncset.s32 $0xFFFFF086  }
0x25: {  	[simem:s6], [sflag:s4] =	dma.local [hbm:s3], $0xF7A  }
0x26: {  	[smem:$0x3F99] =	sst s1;
	(tag) =	ssettag s2;
	_ =	strace s9  }
0x27: {  	s1 =	sld [smem:$0x3FA9]  }
0x28: {  	s2 =	sld [smem:$0x3FAA]  }
0x29: {  	s4 =	sld [smem:$0x3FAC]  }
0x2a: {  	p0 =	seq.s32 s5, $0x0;
	s5 =	sld [smem:$0x3FAD]  }
0x2b: {  	s6 =	sld [smem:$0x3FAE]  }
0x2c: {  	s7 =	sld [smem:$0x3FAF]  }
0x2d: {  	s3 =	simm.s32 $0x108;
	s8 =	sld [smem:$0x3FB0]  }
0x2e: {  	s3 =	simm.s32 @!p0 $0x1082;
	s9 =	sld [smem:$0x3FB1]  }
0x2f: {  	lr =	sadd.s32 s0, s3;
	s0 =	sld [smem:$0x3FA8]  }
0x30: {  	s3 =	sld [smem:$0x3FAB]  }
0x31: {  	[smem:$0x3FB4] =	sst s10  }
0x32: {  	s10 =	sld [smem:$0x3FB2];
	_ =	sdelay $0x3  }
0x33: {  	p0 =	seq.s32 s10, $0x1;
	s10 =	sld [smem:$0x3FB4];
	_ =	sdelay $0x3  }
0x34: {  	[smem:$0x3FB4] =	sst s10  }
0x35: {  	s10 =	sld [smem:$0x3FB3];
	_ =	sdelay $0x3  }
0x36: {  	p1 =	seq.s32 s10, $0x1;
	s10 =	sld [smem:$0x3FB4];
	_ =	sdelay $0x3  }
0x37: {  	[smem:$0x3FB4] =	sst s10  }
0x38: {  	s10 =	sld [smem:$0x3FB5]  }
0x39: {  	_ = 	snop;
	(pc) =	sbr.ind lr, $3  }
0x3a: {  	_ = 	snop  }
0x3b: {  	_ = 	snop  }
0x3c: {  	p2 =	seq.s32 s10, $0x1;
	s10 =	sld [smem:$0x3FB4]  }
0x3d: {  	_ =	shalt  }
0x3e: {  	_ =	shalt  }
0x3f: {  	_ =	shalt  }
0x40: {  	_ =	shalt  }
0x41: {  	_ =	shalt  }
0x42: {  	_ =	shalt  }
0x43: {  	_ =	shalt  }
0x44: {  	_ =	shalt  }
0x45: {  	_ =	shalt  }
0x46: {  	_ =	shalt  }
0x47: {  	_ =	shalt  }
0x48: {  	_ =	shalt  }
0x49: {  	_ =	shalt  }
0x4a: {  	_ =	shalt  }
0x4b: {  	_ =	shalt  }
0x4c: {  	_ =	shalt  }
0x4d: {  	_ =	shalt  }
0x4e: {  	_ =	shalt  }
0x4f: {  	_ =	shalt  }
0x50: {  	_ =	shalt  }
0x51: {  	_ =	shalt  }
0x52: {  	_ =	shalt  }
0x53: {  	_ =	shalt  }
0x54: {  	_ =	shalt  }
0x55: {  	_ =	shalt  }
0x56: {  	_ =	shalt  }
0x57: {  	_ =	shalt  }
0x58: {  	_ =	shalt  }
0x59: {  	_ =	shalt  }
0x5a: {  	_ =	shalt  }
0x5b: {  	_ =	shalt  }
0x5c: {  	_ =	shalt  }
0x5d: {  	_ =	shalt  }
0x5e: {  	_ =	shalt  }
0x5f: {  	_ =	shalt  }
0x60: {  	_ =	shalt  }
0x61: {  	_ =	shalt  }
0x62: {  	_ =	shalt  }
0x63: {  	_ =	shalt  }
0x64: {  	_ =	shalt  }
0x65: {  	_ =	shalt  }
0x66: {  	_ =	shalt  }
0x67: {  	_ =	shalt  }
0x68: {  	_ =	shalt  }
0x69: {  	_ =	shalt  }
0x6a: {  	_ =	shalt  }
0x6b: {  	_ =	shalt  }
0x6c: {  	_ =	shalt  }
0x6d: {  	_ =	shalt  }
0x6e: {  	_ =	shalt  }
0x6f: {  	_ =	shalt  }
0x70: {  	_ =	shalt  }
0x71: {  	_ =	shalt  }
0x72: {  	_ =	shalt  }
0x73: {  	_ =	shalt  }
0x74: {  	_ =	shalt  }
0x75: {  	_ =	shalt  }
0x76: {  	_ =	shalt  }
0x77: {  	_ =	shalt  }
0x78: {  	_ =	shalt  }
0x79: {  	_ =	shalt  }
0x7a: {  	_ =	shalt  }
0x7b: {  	_ =	shalt  }
0x7c: {  	_ =	shalt  }
0x7d: {  	_ =	shalt  }
0x7e: {  	_ =	shalt  }
0x7f: {  	_ =	shalt  }
0x80: {  	_ =	shalt  }
0x81: {  	_ =	shalt  }
0x82: {  	_ =	shalt  }
0x83: {  	_ =	shalt  }
0x84: {  	_ =	shalt  }
0x85: {  	_ =	shalt  }
0x86: {  	_ =	shalt  }
0x87: {  	_ =	shalt  }
.Lfunc_end0:
.L_simem_size_0:
called_computation.2_lowered:
.L_overlay_start_0:
0x88: {  	s2 =	sld [smem:$0x3FD9]  }
0x89: {  	s3 =	sld [smem:$0x3FFE];
	_ =	sdelay $0x1  }
0x8a: {  	s1 =	srdreg.scid  }
0x8b: {  	s0 =	sand.u32 $0x1, s1  }
0x8c: {  	s17 =	sshll.u32 s0, $0xA;
	s2 =	sadd.s32 s3, s2  }
0x8d: {  	s2 =	sadd.s32 s2, s17  }
0x8e: {  	[smem:$0x3FC0] =	sst s2  }
0x8f: {  	_ = 	snop  }
0x90: {  	s2 =	sld [smem:$0x3FD0];
	(tm) =	ssettm $0x1  }
0x91: {  	s18 =	sld [smem:$0x3FFB];
	_ =	sdelay $0x3  }
0x92: {  	_ =	strace s18  }
0x93: {  	s3 =	sld [smem:$0x3FFC];
	_ =	sdelay $0x3  }
0x94: {  	_ =	strace s3  }
0x95: {  	s3 =	sld [smem:$0x3FFD];
	_ =	sdelay $0x3  }
0x96: {  	_ =	strace s3  }
0x97: {  	_ =	strace $0x8FFFFFFF  }
0x98: {  	s19 =	sld [smem:$0x3FDB];
	_ =	sdelay $0x1  }
0x99: {  	s4 =	simm.s32 $_scs_section_size  }
0x9a: {  	s5 =	simm.s32 $_size__tile_overlayer_lowered;
	s6 =	simm.s32 $_tile_overlayer_lowered  }
0x9b: {  	s22 =	simm.s32 $0x1BFF;
	s21 =	sshll.u32 s6, $0x1;
	s3 =	sadd.s32 s4, s19  }
0x9c: {  	s7 =	simm.s32 $0x0;
	s20 =	sshll.u32 s5, $0x1;
	s5 =	sadd.s32 s21, s3  }
0x9d: {  	[timem:s7], [sflag:s22] =	dma.local [hbm:s5], s20  }
0x9e: {  	_ =	swait.ge [sflag:s22], s20  }
0x9f: {  	s4 =	ssub.s32 $0x0, s20;
	[sflag:s22] =	ssyncset.done $0x0  }
0xa0: {  	[sflag:s22] =	ssyncadd.s32 s4;
	_ =	sdelay $0x1  }
0xa1: {  	s23 =	simm.s32 $0x1B8B  }
0xa2: {  	_ =	swait.ge [sflag:s23], $0x1  }
0xa3: {  	[sflag:s23] =	ssyncset.done $0x0  }
0xa4: {  	s25 =	simm.s32 $0x1B8E;
	s24 =	sld [smem:$0x3FFE];
	[sflag:s23] =	ssyncadd.s32 $0xFFFFFFFF  }
0xa5: {  	s26 =	simm.s32 $execute0_lowered;
	[smem:$0x3FD2] =	sst s25  }
0xa6: {  	s5 =	sshll.u32 s26, $0x1;
	_ =	strace $0x8000004C;
	[dreg:$0x1] =	wrdreg $0xFFFFFFFF  }
0xa7: {  	s28 =	simm.s32 $_size_execute0_lowered;
	s3 =	sadd.s32 s3, s5;
	[dreg:$0x0] =	wrdreg $0x0  }
0xa8: {  	s5 =	sshll.u32 s28, $0x1;
	[dreg:$0x2] =	wrdreg s3  }
0xa9: {  	[dreg:$0x3] =	wrdreg s5  }
0xaa: {  	[dreg:$0x4] =	wrdreg $0xC0  }
0xab: {  	_ =	task [dreg:s7], $0x5FFFF  }
0xac: {  	[dreg:$0x1] =	wrdreg $0xFFFFFFFF  }
0xad: {  	[dreg:$0x0] =	wrdreg $0x60  }
0xae: {  	[dreg:$0x2] =	wrdreg s2  }
0xaf: {  	[dreg:$0x3] =	wrdreg s24  }
0xb0: {  	[dreg:$0x4] =	wrdreg $0x0  }
0xb1: {  	[dreg:$0x5] =	wrdreg $0x9  }
0xb2: {  	_ =	task.clear_ibuf [dreg:s7], $0x6FFFF;
	_ =	strace $0x9000004C  }
0xb3: {  	s29 =	simm.s32 $0x9;
	_ =	strace $0x8000004E  }
0xb4: {  	_ =	swait.ge [sflag:s29], $0x1  }
0xb5: {  	[sflag:s29] =	ssyncadd.s32 $0xFFFFFFFF  }
0xb6: {  	_ =	strace $0x9000004E  }
0xb7: {  	_ =	sfence  }
0xb8: {  	s30 =	sld [smem:$0x0];
	_ =	sdelay $0x2  }
0xb9: {  	s31 =	sshll.u32 s1, $0xD;
	s1 =	sshrl.u32 s1, $0x2  }
0xba: {  	s3 =	sand.u32 $0x4000, s31;
	s1 =	sadd.s32 s1, s30  }
0xbb: {  	s0 =	sor.u32 s3, s0;
	s1 =	sshll.u32 s1, $0x11  }
0xbc: {  	s0 =	sor.u32 s1, s0  }
0xbd: {  	s0 =	sadd.s32 $0x8F2B, s0  }
0xbe: {  	[sflag:s0] =	ssyncadd.remote.s32 $0x1  }
0xbf: {  	_ =	sfence.sel $0xFFFF  }
0xc0: {  	[dreg:$0x0] =	wrdreg $0xFFFFFFFF;
	(pc) =	sbr.abs _section_cstart, $3  }
0xc1: {  	[dreg:$0x1] =	wrdreg $0xFFFFFFFF  }
0xc2: {  	_ =	task.clear_ibuf [dreg:s7], $0x2FFFF;
	_ =	strace $0x9FFFFFFF  }
0xc3: {  	(tm) =	ssettm $0x7FFFFFFF  }
tec
execute0_lowered:
.L_overlay_start_1:
0x0: {  	(tag) =	ssettag $0x1  }
0x1: {  	s0 =	rddreg [dreg:$0x0]  }
0x2: {  	s5 =	rddreg [dreg:$0x1];
	s1 =	srdreg.scid  }
0x3: {  	s3 =	rddreg [dreg:$0x2];
	s2 =	stileid.u32  }
0x4: {  	s4 =	simm.s32 $0x0;
	s11 =	simm.s32 $0x14100;
	s12 =	simm.s32 $0x14180  }
0x5: {  	s13 =	simm.s32 $0x2;
	s14 =	simm.s32 $0x14000;
	s15 =	simm.s32 $0x14080  }
0x6: {  	s16 =	simm.s32 $0x1;
	s6 =	sand.u32 $0x1, s1;
	s8 =	smul.u32 $0x14000, s2  }
0x7: {  	s17 =	simm.s32 $0x0;
	s1 =	rddreg [dreg:$0x3];
	s7 =	smul.u32 $0x140000, s6  }
0x8: {  	[smem:$0x7FF] =	sst s4;
	s9 =	smul.u32 $0x4F00, s6;
	s6 =	ssub.s32 $0x2, s6  }
0x9: {  	s30 =	smul.u32 $0x4F0, s2;
	_ =	strace $0x8000004D;
	s31 =	sshrl.u32 s6, $0x1  }
0xa: {  	s7 =	sadd.s32 s8, s7;
	s9 =	sadd.s32 s9, s5;
	s6 =	ssub.s32 s6, s31  }
0xb: {  	s7 =	sshrl.u32 s7, $0x3;
	s8 =	sadd.s32 s30, s9;
	s6 =	smax.u32 s6, $0x1  }
0xc: {  	s10 =	sadd.s32 s7, s5;
	s5 =	smul.u32 $0x280, s2;
	s7 =	sadd.s32 $0xC600, s8  }
0xd: {  	v0 =	vimm.f32 $0.0e+00;
	v1 =	vlaneseq.u32;
	s8 =	sadd.s32 $0x2800, s8;
	s9 =	sadd.s32 $0x16400, s10;
	s10 =	simm.s32 $0x80  }
.LBB2_1:
0xe: {  	s18 =	simm.s32 $0x0;
	s19 =	simm.s32 $0x200  }
.LBB2_2:
0xf: {  	p0 =	sne.s32 s19, $0xFE00;
	[tilespmem:s18+$0x141F0] =	vst v0  }
0x10: {  	[tilespmem:s18+$0x14180] =	vst v0  }
0x11: {  	[tilespmem:s18+$0x14190] =	vst v0  }
.Ltmp0:
0x12: {  	[tilespmem:s18+$0x141A0] =	vst v0;
	(pc) =	sbr.rel @p0 .LBB2_2-.Ltmp0, $4  }
0x13: {  	[tilespmem:s18+$0x141B0] =	vst v0  }
0x14: {  	[tilespmem:s18+$0x141C0] =	vst v0  }
0x15: {  	[tilespmem:s18+$0x141D0] =	vst v0  }
0x16: {  	[tilespmem:s18+$0x141E0] =	vst v0;
	s18 =	sshra.s32 s19, $0x2;
	s19 =	sadd.s32 $0x200, s19  }
0x17: {  	[tilespmem:s18+$0x141F0] =	vst v0  }
0x18: {  	[tilespmem:s18+$0x14180] =	vst v0  }
0x19: {  	[tilespmem:s18+$0x14190] =	vst v0  }
0x1a: {  	[tilespmem:s18+$0x141A0] =	vst v0  }
0x1b: {  	[tilespmem:s18+$0x141B0] =	vst v0  }
0x1c: {  	[tilespmem:s18+$0x141C0] =	vst v0  }
0x1d: {  	[tilespmem:s18+$0x141D0] =	vst v0;
	s19 =	sadd.s32 $0x0, s5  }
0x1e: {  	[tilespmem:s18+$0x141E0] =	vst v0;
	v2 =	vor.u32 s19, v1;
	s26 =	sadd.s32 $0x70, s19  }
0x1f: {  	s20 =	sadd.s32 $0x60, s19;
	[tilespmem:$0x14100] =	vst v2;
	v2 =	vor.u32 s26, v1  }
0x20: {  	s30 =	sadd.s32 $0x30, s19;
	v3 =	vor.u32 s20, v1;
	[tilespmem:$0x14170] =	vst v2  }
0x21: {  	s28 =	sadd.s32 $0x50, s19;
	v4 =	vor.u32 s30, v1;
	[tilespmem:$0x14160] =	vst v3  }
0x22: {  	s29 =	sadd.s32 $0x40, s19;
	v2 =	vor.u32 s28, v1;
	[tilespmem:$0x14130] =	vst v4  }
0x23: {  	s31 =	sadd.s32 $0x20, s19;
	v3 =	vor.u32 s29, v1;
	[tilespmem:$0x14150] =	vst v2  }
0x24: {  	s18 =	simm.s32 $0x80;
	s19 =	sadd.s32 $0x10, s19;
	[tilespmem:$0x14140] =	vst v3;
	v2 =	vor.u32 s31, v1  }
.LBB2_4:
0x25: {  	p0 =	sne.s32 s18, $0x200;
	v3 =	vor.u32 s19, v1;
	[tilespmem:$0x14120] =	vst v2  }
0x26: {  	[tilespmem:$0x14110] =	vst v3;
	[spmem:s3] =	stream.indirect.scatter [tilespmem:s12], [sflag:$0x2], $0x80, s11, s10, $0xb8  }
0x27: {  	_ =	swait.ge [sflag:s13], $0x4000  }
0x28: {  	s19 =	sadd.s32 s18, s5;
	[sflag:s13] =	ssyncset.done $0x0  }
0x29: {  	v2 =	vor.u32 s19, v1;
	s20 =	sadd.s32 $0x70, s19;
	[sflag:s13] =	ssyncadd.s32 $0xFFFFC000  }
0x2a: {  	s21 =	sadd.s32 $0x60, s19;
	[tilespmem:$0x14100] =	vst v2;
	v2 =	vor.u32 s20, v1  }
.Ltmp1:
0x2b: {  	v3 =	vor.u32 s21, v1;
	s20 =	sadd.s32 $0x50, s19;
	[tilespmem:$0x14170] =	vst v2;
	(pc) =	sbr.rel @p0 .LBB2_4-.Ltmp1, $4  }
0x2c: {  	s21 =	sadd.s32 $0x40, s19;
	v2 =	vor.u32 s20, v1;
	[tilespmem:$0x14160] =	vst v3  }
0x2d: {  	s20 =	sadd.s32 $0x30, s19;
	v3 =	vor.u32 s21, v1;
	[tilespmem:$0x14150] =	vst v2  }
0x2e: {  	s21 =	sadd.s32 $0x20, s19;
	v4 =	vor.u32 s20, v1;
	[tilespmem:$0x14140] =	vst v3  }
0x2f: {  	s18 =	sadd.s32 $0x80, s18;
	s19 =	sadd.s32 $0x10, s19;
	v2 =	vor.u32 s21, v1;
	[tilespmem:$0x14130] =	vst v4  }
0x30: {  	v3 =	vor.u32 s19, v1;
	[tilespmem:$0x14120] =	vst v2  }
0x31: {  	[tilespmem:$0x14110] =	vst v3  }
0x32: {  	[spmem:s3] =	stream.indirect.scatter [tilespmem:s12], [sflag:$0x2], $0x80, s11, s10, $0xb8;
	[tilespmem:$0x18180] =	vst v63  }
0x33: {  	_ =	swait.ge [sflag:s13], $0x4000  }
0x34: {  	[sflag:s13] =	ssyncset.done $0x0  }
0x35: {  	[sflag:s13] =	ssyncadd.s32 $0xFFFFC000  }
0x36: {  	s18 =	sadd.s32 $0x0, s7;
	[bflag:$0x0] =	sbarrier.arrive $0xFFFF  }
0x37: {  	[tilespmem:s14], [sflag:$0x2] =	stream.linear.gather [hbm4b:s18+s4], $0x80, $0x38;
	[tilespmem:$0x18180] =	vst v63  }
0x38: {  	_ =	swait.ge [sflag:s13], $0x80  }
0x39: {  	[sflag:s13] =	ssyncset.done $0x0  }
0x3a: {  	s31 =	sadd.s32 $0x0, s8;
	[sflag:s13] =	ssyncadd.s32 $0xFFFFFF80  }
0x3b: {  	[tilespmem:s15], [sflag:$0x2] =	stream.linear.gather [hbm4b:s31+s4], $0x80, $0x38;
	[tilespmem:$0x18180] =	vst v63  }
0x3c: {  	_ =	swait.ge [sflag:s13], $0x80  }
0x3d: {  	[sflag:s13] =	ssyncset.done $0x0  }
0x3e: {  	[sflag:s13] =	ssyncadd.s32 $0xFFFFFF80  }
0x3f: {  	[tilespmem:s12], [sflag:$0x1] =	stream.indirect.gather [hbm4b:s0+s10], $0x80, s14, s10, $0xb8;
	[tilespmem:$0x18180] =	vst v63  }
0x40: {  	_ =	swait.ge [sflag:s16], $0x4000  }
0x41: {  	[sflag:s16] =	ssyncset.done $0x0  }
0x42: {  	[sflag:s16] =	ssyncadd.s32 $0xFFFFC000  }
0x43: {  	[spmem:s3] =	stream.indirect.scatter.add.f32 [tilespmem:s12], [sflag:$0x2], $0x80, s15, s10, $0xb8;
	[tilespmem:$0x18180] =	vst v63  }
0x44: {  	_ =	swait.ge [sflag:s13], $0x4000  }
0x45: {  	s19 =	simm.s32 $0x20;
	s18 =	simm.s32 $0x10;
	[sflag:s13] =	ssyncset.done $0x0  }
.LBB2_6:
0x46: {  	s20 =	sadd.s32 s18, s7  }
0x47: {  	[sflag:s13] =	ssyncadd.s32 $0xFFFFC000;
	s21 =	smov.u32 s19;
	s22 =	sadd.s32 $0x10, s19  }
0x48: {  	[tilespmem:s14], [sflag:$0x2] =	stream.linear.gather [hbm4b:s20+s4], $0x80, $0x38;
	[tilespmem:$0x18180] =	vst v63  }
0x49: {  	p0 =	sne.s32 s19, $0x4E0;
	_ =	swait.ge [sflag:s13], $0x80  }
0x4a: {  	[sflag:s13] =	ssyncset.done $0x0  }
0x4b: {  	s19 =	sadd.s32 s18, s8;
	s18 =	smov.u32 s21;
	[sflag:s13] =	ssyncadd.s32 $0xFFFFFF80  }
0x4c: {  	[tilespmem:s15], [sflag:$0x2] =	stream.linear.gather [hbm4b:s19+s4], $0x80, $0x38;
	[tilespmem:$0x18180] =	vst v63  }
0x4d: {  	_ =	swait.ge [sflag:s13], $0x80  }
0x4e: {  	[sflag:s13] =	ssyncset.done $0x0  }
0x4f: {  	[sflag:s13] =	ssyncadd.s32 $0xFFFFFF80  }
0x50: {  	[tilespmem:s12], [sflag:$0x1] =	stream.indirect.gather [hbm4b:s0+s10], $0x80, s14, s10, $0xb8;
	[tilespmem:$0x18180] =	vst v63  }
0x51: {  	_ =	swait.ge [sflag:s16], $0x4000  }
.Ltmp2:
0x52: {  	[sflag:s16] =	ssyncset.done $0x0;
	(pc) =	sbr.rel @p0 .LBB2_6-.Ltmp2, $4  }
0x53: {  	[sflag:s16] =	ssyncadd.s32 $0xFFFFC000  }
0x54: {  	[spmem:s3] =	stream.indirect.scatter.add.f32 [tilespmem:s12], [sflag:$0x2], $0x80, s15, s10, $0xb8;
	[tilespmem:$0x18180] =	vst v63  }
0x55: {  	_ =	swait.ge [sflag:s13], $0x4000  }
0x56: {  	s19 =	smov.u32 s22;
	[sflag:s13] =	ssyncset.done $0x0  }
0x57: {  	s19 =	sadd.s32 s18, s7;
	[sflag:s13] =	ssyncadd.s32 $0xFFFFC000  }
0x58: {  	[tilespmem:s14], [sflag:$0x2] =	stream.linear.gather [hbm4b:s19+s4], $0x80, $0x38;
	[tilespmem:$0x18180] =	vst v63  }
0x59: {  	_ =	swait.ge [sflag:s13], $0x80  }
0x5a: {  	[sflag:s13] =	ssyncset.done $0x0  }
0x5b: {  	s24 =	sadd.s32 s18, s8;
	[sflag:s13] =	ssyncadd.s32 $0xFFFFFF80  }
0x5c: {  	[tilespmem:s15], [sflag:$0x2] =	stream.linear.gather [hbm4b:s24+s4], $0x80, $0x38;
	[tilespmem:$0x18180] =	vst v63  }
0x5d: {  	_ =	swait.ge [sflag:s13], $0x80  }
0x5e: {  	[sflag:s13] =	ssyncset.done $0x0  }
0x5f: {  	[sflag:s13] =	ssyncadd.s32 $0xFFFFFF80  }
0x60: {  	[tilespmem:s12], [sflag:$0x1] =	stream.indirect.gather [hbm4b:s0+s10], $0x80, s14, s10, $0xb8;
	[tilespmem:$0x18180] =	vst v63  }
0x61: {  	_ =	swait.ge [sflag:s16], $0x4000  }
0x62: {  	[sflag:s16] =	ssyncset.done $0x0  }
0x63: {  	[sflag:s16] =	ssyncadd.s32 $0xFFFFC000  }
0x64: {  	[spmem:s3] =	stream.indirect.scatter.add.f32 [tilespmem:s12], [sflag:$0x2], $0x80, s15, s10, $0xb8;
	[tilespmem:$0x18180] =	vst v63  }
0x65: {  	_ =	swait.ge [sflag:s13], $0x4000  }
0x66: {  	[sflag:s13] =	ssyncset.done $0x0  }
0x67: {  	s25 =	sadd.s32 $0x0, s5;
	[sflag:s13] =	ssyncadd.s32 $0xFFFFC000  }
0x68: {  	v2 =	vor.u32 s25, v1;
	s20 =	sadd.s32 $0x20, s25;
	[bflag:$0x0] =	sbarrier.arrive $0xFFFF  }
0x69: {  	s26 =	sadd.s32 $0x10, s25;
	v3 =	vor.u32 s20, v1;
	[tilespmem:$0x14100] =	vst v2  }
0x6a: {  	s30 =	sadd.s32 $0x40, s25;
	v2 =	vor.u32 s26, v1;
	[tilespmem:$0x14120] =	vst v3  }
0x6b: {  	s28 =	sadd.s32 $0x70, s25;
	v3 =	vor.u32 s30, v1;
	[tilespmem:$0x14110] =	vst v2  }
0x6c: {  	s18 =	sadd.s32 $0x30, s25;
	v2 =	vor.u32 s28, v1;
	[tilespmem:$0x14140] =	vst v3  }
0x6d: {  	s29 =	sadd.s32 $0x50, s25;
	v3 =	vor.u32 s18, v1;
	[tilespmem:$0x14170] =	vst v2  }
0x6e: {  	s31 =	sadd.s32 $0x60, s25;
	v2 =	vor.u32 s29, v1;
	[tilespmem:$0x14130] =	vst v3  }
0x6f: {  	[tilespmem:$0x14150] =	vst v2;
	v2 =	vor.u32 s31, v1  }
0x70: {  	s19 =	smov.u32 s9;
	s20 =	smov.u32 s9;
	s18 =	simm.s32 $0x80;
	[tilespmem:$0x14160] =	vst v2  }
0x71: {  	[tilespmem:s12], [sflag:$0x2] =	stream.indirect.gather [spmem:s3], $0x80, s11, s10, $0xb8;
	[tilespmem:$0x18180] =	vst v63  }
.LBB2_8:
0x72: {  	p0 =	sne.s32 s18, $0x200;
	_ =	swait.ge [sflag:s13], $0x4000;
	s20 =	sadd.s32 $0x800, s20  }
0x73: {  	s21 =	smov.u32 s18;
	s18 =	sadd.s32 $0x80, s18;
	[sflag:s13] =	ssyncset.done $0x0  }
0x74: {  	[sflag:s13] =	ssyncadd.s32 $0xFFFFC000  }
0x75: {  	[hbm4b:s19+s4] =	stream.linear.scatter [tilespmem:s12], [sflag:$0x2], $0x4000, $0x38;
	[tilespmem:$0x18180] =	vst v63  }
0x76: {  	s19 =	smov.u32 s20;
	_ =	swait.ge [sflag:s13], $0x4000  }
0x77: {  	s21 =	sadd.s32 s21, s5;
	[sflag:s13] =	ssyncset.done $0x0  }
0x78: {  	v2 =	vor.u32 s21, v1;
	s22 =	sadd.s32 $0x10, s21;
	s23 =	sadd.s32 $0x20, s21;
	[sflag:s13] =	ssyncadd.s32 $0xFFFFC000  }
0x79: {  	s24 =	sadd.s32 $0x70, s21;
	v3 =	vor.u32 s23, v1;
	s23 =	sadd.s32 $0x50, s21;
	[tilespmem:$0x14100] =	vst v2;
	v2 =	vor.u32 s22, v1;
	s22 =	sadd.s32 $0x40, s21  }
0x7a: {  	s25 =	sadd.s32 $0x30, s21;
	v5 =	vor.u32 s24, v1;
	v4 =	vor.u32 s23, v1;
	s21 =	sadd.s32 $0x60, s21;
	[tilespmem:$0x14110] =	vst v2;
	v2 =	vor.u32 s22, v1  }
0x7b: {  	v6 =	vor.u32 s25, v1;
	v7 =	vor.u32 s21, v1;
	[tilespmem:$0x14170] =	vst v5  }
0x7c: {  	[tilespmem:$0x14120] =	vst v3  }
.Ltmp3:
0x7d: {  	[tilespmem:$0x14150] =	vst v4;
	(pc) =	sbr.rel @p0 .LBB2_8-.Ltmp3, $4  }
0x7e: {  	[tilespmem:$0x14140] =	vst v2  }
0x7f: {  	[tilespmem:$0x14160] =	vst v7  }
0x80: {  	[tilespmem:$0x14130] =	vst v6  }
0x81: {  	[tilespmem:s12], [sflag:$0x2] =	stream.indirect.gather [spmem:s3], $0x80, s11, s10, $0xb8;
	[tilespmem:$0x18180] =	vst v63  }
0x82: {  	_ =	swait.ge [sflag:s13], $0x4000;
	s17 =	sadd.s32 $0x1, s17  }
0x83: {  	[sflag:s13] =	ssyncset.done $0x0;
	p0 =	sne.s32 s17, s6  }
.Ltmp4:
0x84: {  	[sflag:s13] =	ssyncadd.s32 $0xFFFFC000;
	(pc) =	sbr.rel @p0 .LBB2_1-.Ltmp4, $4  }
0x85: {  	[hbm4b:s19+s4] =	stream.linear.scatter [tilespmem:s12], [sflag:$0x2], $0x4000, $0x38;
	[tilespmem:$0x18180] =	vst v63  }
0x86: {  	_ =	swait.ge [sflag:s13], $0x4000  }
0x87: {  	[sflag:s13] =	ssyncset.done $0x0  }
0x88: {  	[sflag:s13] =	ssyncadd.s32 $0xFFFFC000  }
0x89: {  	_ =	sfence.sel $0x180000  }
0x8a: {  	[bflag:$0x0] =	sbarrier.arrive $0xFFFF  }
0x8b: {  	p0 =	sne.s32 s2, $0x0;
	_ =	strace $0x9000004D  }
0x8c: {  	s0 =	sadd.s32 @!p0 $0x100000, s1;
	[bflag:$0x2] =	sbarrier.arrive $0xFFFF  }
0x8d: {  	[sflag:s0] =	ssyncadd.tile.s32 @!p0 $0x1;
	_ =	shalt  }
.Lfunc_end2:
_tile_overlayer_lowered:
.L_overlay_start_2:
0x8e: {  	(tag) =	ssettag $0x2  }
0x8f: {  	s0 =	rddreg [dreg:$0x0];
	s2 =	stileid.u32  }
0x90: {  	s1 =	rddreg [dreg:$0x1];
	p0 =	sne.s32 s2, $0x0  }
0x91: {  	s3 =	rddreg [dreg:$0x2];
	[bflag:$0x3] =	sbarrier.arrive $0xFFFF;
	s2 =	simm.s32 @!p0 $0x1C02  }
0x92: {  	[timem:s3], [sflag:s2] =	dma.local @!p0 [hbm:s0], s1  }
0x93: {  	s0 =	simm.s32 @!p0 $0x2  }
0x94: {  	_ =	swait.ge @!p0 [sflag:s0], s1  }
0x95: {  	s1 =	ssub.s32 @!p0 $0x0, s1;
	[sflag:s0] =	ssyncset.done @!p0 $0x0  }
0x96: {  	[sflag:s0] =	ssyncadd.s32 @!p0 s1  }
0x97: {  	[bflag:$0x3] =	sbarrier.arrive $0xFFFF  }
0x98: {  	_ =	shalt  }

// kernel: kernel.7.cloned.1.call-start
scs
__scs_entry_jumppad:
0x0: {  	(pc) =	sbr.rel $0x88, $3  }
0x1: {  	(tag) =	ssettag $0x0;
	lr =	simm.s32 $0x1  }
0x2: {  	[smem:$0x3F99] =	sst lr;
	_ =	strace $0xD0000000  }
0x3: {  	_ = 	snop  }
0x4: {  	_ = 	snop  }
0x5: {  	_ = 	snop  }
0x6: {  	_ = 	snop  }
0x7: {  	_ = 	snop  }
__scs_overlays_trampoline_lowered:
0x8: {  	[smem:$0x3FA8] =	sst s0  }
0x9: {  	[smem:$0x3FA9] =	sst s1  }
0xa: {  	[smem:$0x3FAA] =	sst s2  }
0xb: {  	[smem:$0x3FAB] =	sst s3  }
0xc: {  	[smem:$0x3FAC] =	sst s4  }
0xd: {  	[smem:$0x3FAD] =	sst s5  }
0xe: {  	[smem:$0x3FAE] =	sst s6  }
0xf: {  	[smem:$0x3FAF] =	sst s7  }
0x10: {  	[smem:$0x3FB0] =	sst s8  }
0x11: {  	[smem:$0x3FB1] =	sst s9;
	s0 =	simm.s32 @!p0 $0x0  }
0x12: {  	s1 =	sld [smem:$0x3F97];
	s0 =	simm.s32 @p0 $0x1  }
0x13: {  	[smem:$0x3FB2] =	sst s0;
	s0 =	simm.s32 @!p1 $0x0  }
0x14: {  	s2 =	sld [smem:$0x3F96];
	s0 =	simm.s32 @p1 $0x1  }
0x15: {  	[smem:$0x3FB3] =	sst s0;
	s0 =	simm.s32 @!p2 $0x0  }
0x16: {  	s3 =	sld [smem:$0x3FDB];
	s0 =	simm.s32 @p2 $0x1  }
0x17: {  	s4 =	simm.s32 $0x1BF5;
	[smem:$0x3FB5] =	sst s0  }
0x18: {  	s0 =	sld [smem:$0x3F98];
	_ =	swait.ge [sflag:s4], $0x0  }
0x19: {  	s7 =	sld [smem:$0x3F99]  }
0x1a: {  	s8 =	sadd.s32 $0xFFFFE003, lr  }
0x1b: {  	s9 =	sadd.s32 $0xFFFFFEF7, lr;
	s5 =	simm.s32 $0xFFFFFFFF;
	p2 =	slt.u32 s8, $0xFFFFF086  }
0x1c: {  	p1 =	slt.u32 s9, $0xF7A;
	s5 =	simm.s32 @!p2 $0x0  }
0x1d: {  	s5 =	simm.s32 @p1 $0x1;
	p0 =	seq.s32 s7, s2  }
0x1e: {  	s7 =	smul.u32 @!p0 $0xF7A, s2;
	p2 =	seq.s32 @!p0 s5, $0x0  }
0x1f: {  	s9 =	smul.u32 $0xF7A, s1;
	s8 =	simm.s32 @!p0 $0x1BF5;
	p2 =	por !p2, p0  }
0x20: {  	[sflag:s8] =	ssyncset.s32 @!p0 $0xFFFFF086;
	s6 =	sadd.s32 @!p0 s3, s7;
	s7 =	simm.s32 @!p0 $0x108  }
0x21: {  	s3 =	sadd.s32 s3, s9;
	s6 =	sadd.s32 @!p0 $0x88, s6;
	s7 =	simm.s32 @p2 $0x1082  }
0x22: {  	[simem:s7], [sflag:s8] =	dma.local @!p0 [hbm:s6], $0xF7A  }
0x23: {  	s9 =	sor.u32 $0xD0000000, s2;
	s6 =	simm.s32 $0x108;
	_ =	swait.ge @!p0 [sflag:s8], $0x0  }
0x24: {  	s3 =	sadd.s32 $0x88, s3;
	s6 =	simm.s32 @!p1 $0x1082;
	[sflag:s4] =	ssyncset.s32 $0xFFFFF086  }
0x25: {  	[simem:s6], [sflag:s4] =	dma.local [hbm:s3], $0xF7A  }
0x26: {  	[smem:$0x3F99] =	sst s1;
	(tag) =	ssettag s2;
	_ =	strace s9  }
0x27: {  	s1 =	sld [smem:$0x3FA9]  }
0x28: {  	s2 =	sld [smem:$0x3FAA]  }
0x29: {  	s4 =	sld [smem:$0x3FAC]  }
0x2a: {  	p0 =	seq.s32 s5, $0x0;
	s5 =	sld [smem:$0x3FAD]  }
0x2b: {  	s6 =	sld [smem:$0x3FAE]  }
0x2c: {  	s7 =	sld [smem:$0x3FAF]  }
0x2d: {  	s3 =	simm.s32 $0x108;
	s8 =	sld [smem:$0x3FB0]  }
0x2e: {  	s3 =	simm.s32 @!p0 $0x1082;
	s9 =	sld [smem:$0x3FB1]  }
0x2f: {  	lr =	sadd.s32 s0, s3;
	s0 =	sld [smem:$0x3FA8]  }
0x30: {  	s3 =	sld [smem:$0x3FAB]  }
0x31: {  	[smem:$0x3FB4] =	sst s10  }
0x32: {  	s10 =	sld [smem:$0x3FB2];
	_ =	sdelay $0x3  }
0x33: {  	p0 =	seq.s32 s10, $0x1;
	s10 =	sld [smem:$0x3FB4];
	_ =	sdelay $0x3  }
0x34: {  	[smem:$0x3FB4] =	sst s10  }
0x35: {  	s10 =	sld [smem:$0x3FB3];
	_ =	sdelay $0x3  }
0x36: {  	p1 =	seq.s32 s10, $0x1;
	s10 =	sld [smem:$0x3FB4];
	_ =	sdelay $0x3  }
0x37: {  	[smem:$0x3FB4] =	sst s10  }
0x38: {  	s10 =	sld [smem:$0x3FB5]  }
0x39: {  	_ = 	snop;
	(pc) =	sbr.ind lr, $3  }
0x3a: {  	_ = 	snop  }
0x3b: {  	_ = 	snop  }
0x3c: {  	p2 =	seq.s32 s10, $0x1;
	s10 =	sld [smem:$0x3FB4]  }
0x3d: {  	_ =	shalt  }
0x3e: {  	_ =	shalt  }
0x3f: {  	_ =	shalt  }
0x40: {  	_ =	shalt  }
0x41: {  	_ =	shalt  }
0x42: {  	_ =	shalt  }
0x43: {  	_ =	shalt  }
0x44: {  	_ =	shalt  }
0x45: {  	_ =	shalt  }
0x46: {  	_ =	shalt  }
0x47: {  	_ =	shalt  }
0x48: {  	_ =	shalt  }
0x49: {  	_ =	shalt  }
0x4a: {  	_ =	shalt  }
0x4b: {  	_ =	shalt  }
0x4c: {  	_ =	shalt  }
0x4d: {  	_ =	shalt  }
0x4e: {  	_ =	shalt  }
0x4f: {  	_ =	shalt  }
0x50: {  	_ =	shalt  }
0x51: {  	_ =	shalt  }
0x52: {  	_ =	shalt  }
0x53: {  	_ =	shalt  }
0x54: {  	_ =	shalt  }
0x55: {  	_ =	shalt  }
0x56: {  	_ =	shalt  }
0x57: {  	_ =	shalt  }
0x58: {  	_ =	shalt  }
0x59: {  	_ =	shalt  }
0x5a: {  	_ =	shalt  }
0x5b: {  	_ =	shalt  }
0x5c: {  	_ =	shalt  }
0x5d: {  	_ =	shalt  }
0x5e: {  	_ =	shalt  }
0x5f: {  	_ =	shalt  }
0x60: {  	_ =	shalt  }
0x61: {  	_ =	shalt  }
0x62: {  	_ =	shalt  }
0x63: {  	_ =	shalt  }
0x64: {  	_ =	shalt  }
0x65: {  	_ =	shalt  }
0x66: {  	_ =	shalt  }
0x67: {  	_ =	shalt  }
0x68: {  	_ =	shalt  }
0x69: {  	_ =	shalt  }
0x6a: {  	_ =	shalt  }
0x6b: {  	_ =	shalt  }
0x6c: {  	_ =	shalt  }
0x6d: {  	_ =	shalt  }
0x6e: {  	_ =	shalt  }
0x6f: {  	_ =	shalt  }
0x70: {  	_ =	shalt  }
0x71: {  	_ =	shalt  }
0x72: {  	_ =	shalt  }
0x73: {  	_ =	shalt  }
0x74: {  	_ =	shalt  }
0x75: {  	_ =	shalt  }
0x76: {  	_ =	shalt  }
0x77: {  	_ =	shalt  }
0x78: {  	_ =	shalt  }
0x79: {  	_ =	shalt  }
0x7a: {  	_ =	shalt  }
0x7b: {  	_ =	shalt  }
0x7c: {  	_ =	shalt  }
0x7d: {  	_ =	shalt  }
0x7e: {  	_ =	shalt  }
0x7f: {  	_ =	shalt  }
0x80: {  	_ =	shalt  }
0x81: {  	_ =	shalt  }
0x82: {  	_ =	shalt  }
0x83: {  	_ =	shalt  }
0x84: {  	_ =	shalt  }
0x85: {  	_ =	shalt  }
0x86: {  	_ =	shalt  }
0x87: {  	_ =	shalt  }
.Lfunc_end0:
.L_simem_size_0:
called_computation_lowered:
.L_overlay_start_0:
0x88: {  	s2 =	sld [smem:$0x3FD9]  }
0x89: {  	s3 =	sld [smem:$0x3FFE];
	_ =	sdelay $0x1  }
0x8a: {  	s1 =	srdreg.scid  }
0x8b: {  	s0 =	sand.u32 $0x1, s1  }
0x8c: {  	s17 =	sshll.u32 s0, $0xA;
	s2 =	sadd.s32 s3, s2  }
0x8d: {  	s2 =	sadd.s32 s2, s17  }
0x8e: {  	[smem:$0x3FC0] =	sst s2  }
0x8f: {  	_ = 	snop  }
0x90: {  	s2 =	sld [smem:$0x3FC9];
	(tm) =	ssettm $0x1  }
0x91: {  	s18 =	sld [smem:$0x3FFB];
	_ =	sdelay $0x3  }
0x92: {  	_ =	strace s18  }
0x93: {  	s3 =	sld [smem:$0x3FFC];
	_ =	sdelay $0x3  }
0x94: {  	_ =	strace s3  }
0x95: {  	s3 =	sld [smem:$0x3FFD];
	_ =	sdelay $0x3  }
0x96: {  	_ =	strace s3  }
0x97: {  	_ =	strace $0x8FFFFFFF  }
0x98: {  	s19 =	sld [smem:$0x3FDB];
	_ =	sdelay $0x1  }
0x99: {  	s4 =	simm.s32 $_scs_section_size  }
0x9a: {  	s5 =	simm.s32 $_size__tile_overlayer_lowered;
	s6 =	simm.s32 $_tile_overlayer_lowered  }
0x9b: {  	s22 =	simm.s32 $0x1BFF;
	s21 =	sshll.u32 s6, $0x1;
	s3 =	sadd.s32 s4, s19  }
0x9c: {  	s7 =	simm.s32 $0x0;
	s20 =	sshll.u32 s5, $0x1;
	s5 =	sadd.s32 s21, s3  }
0x9d: {  	[timem:s7], [sflag:s22] =	dma.local [hbm:s5], s20  }
0x9e: {  	_ =	swait.ge [sflag:s22], s20  }
0x9f: {  	s4 =	ssub.s32 $0x0, s20;
	[sflag:s22] =	ssyncset.done $0x0  }
0xa0: {  	[sflag:s22] =	ssyncadd.s32 s4;
	_ =	sdelay $0x1  }
0xa1: {  	s23 =	simm.s32 $0x1B8B  }
0xa2: {  	_ =	swait.ge [sflag:s23], $0x1  }
0xa3: {  	[sflag:s23] =	ssyncset.done $0x0  }
0xa4: {  	s25 =	simm.s32 $0x1B8E;
	s24 =	sld [smem:$0x3FFE];
	[sflag:s23] =	ssyncadd.s32 $0xFFFFFFFF  }
0xa5: {  	s26 =	simm.s32 $execute0_lowered;
	[smem:$0x3FD2] =	sst s25  }
0xa6: {  	s5 =	sshll.u32 s26, $0x1;
	_ =	strace $0x80000046;
	[dreg:$0x1] =	wrdreg $0xFFFFFFFF  }
0xa7: {  	s28 =	simm.s32 $_size_execute0_lowered;
	s3 =	sadd.s32 s3, s5;
	[dreg:$0x0] =	wrdreg $0x0  }
0xa8: {  	s5 =	sshll.u32 s28, $0x1;
	[dreg:$0x2] =	wrdreg s3  }
0xa9: {  	[dreg:$0x3] =	wrdreg s5  }
0xaa: {  	[dreg:$0x4] =	wrdreg $0xC0  }
0xab: {  	_ =	task [dreg:s7], $0x5FFFF  }
0xac: {  	[dreg:$0x1] =	wrdreg $0xFFFFFFFF  }
0xad: {  	[dreg:$0x0] =	wrdreg $0x60  }
0xae: {  	[dreg:$0x2] =	wrdreg s2  }
0xaf: {  	[dreg:$0x3] =	wrdreg s24  }
0xb0: {  	[dreg:$0x4] =	wrdreg $0x0  }
0xb1: {  	[dreg:$0x5] =	wrdreg $0x9  }
0xb2: {  	_ =	task.clear_ibuf [dreg:s7], $0x6FFFF;
	_ =	strace $0x90000046  }
0xb3: {  	s29 =	simm.s32 $0x9;
	_ =	strace $0x80000048  }
0xb4: {  	_ =	swait.ge [sflag:s29], $0x1  }
0xb5: {  	[sflag:s29] =	ssyncadd.s32 $0xFFFFFFFF  }
0xb6: {  	_ =	strace $0x90000048  }
0xb7: {  	_ =	sfence  }
0xb8: {  	s30 =	sld [smem:$0x0];
	_ =	sdelay $0x2  }
0xb9: {  	s31 =	sshll.u32 s1, $0xD;
	s1 =	sshrl.u32 s1, $0x2  }
0xba: {  	s3 =	sand.u32 $0x4000, s31;
	s1 =	sadd.s32 s1, s30  }
0xbb: {  	s0 =	sor.u32 s3, s0;
	s1 =	sshll.u32 s1, $0x11  }
0xbc: {  	s0 =	sor.u32 s1, s0  }
0xbd: {  	s0 =	sadd.s32 $0x8F2B, s0  }
0xbe: {  	[sflag:s0] =	ssyncadd.remote.s32 $0x1  }
0xbf: {  	_ =	sfence.sel $0xFFFF  }
0xc0: {  	[dreg:$0x0] =	wrdreg $0xFFFFFFFF;
	(pc) =	sbr.abs _section_cstart, $3  }
0xc1: {  	[dreg:$0x1] =	wrdreg $0xFFFFFFFF  }
0xc2: {  	_ =	task.clear_ibuf [dreg:s7], $0x2FFFF;
	_ =	strace $0x9FFFFFFF  }
0xc3: {  	(tm) =	ssettm $0x7FFFFFFF  }
tec
execute0_lowered:
.L_overlay_start_1:
0x0: {  	(tag) =	ssettag $0x1  }
0x1: {  	s0 =	rddreg [dreg:$0x0]  }
0x2: {  	s5 =	rddreg [dreg:$0x1];
	s1 =	srdreg.scid  }
0x3: {  	s3 =	rddreg [dreg:$0x2];
	s2 =	stileid.u32  }
0x4: {  	s4 =	simm.s32 $0x0;
	s11 =	simm.s32 $0x14100;
	s12 =	simm.s32 $0x14180  }
0x5: {  	s13 =	simm.s32 $0x2;
	s14 =	simm.s32 $0x14000;
	s15 =	simm.s32 $0x14080  }
0x6: {  	s16 =	simm.s32 $0x1;
	s6 =	sand.u32 $0x1, s1;
	s8 =	smul.u32 $0x14000, s2  }
0x7: {  	s17 =	simm.s32 $0x0;
	s1 =	rddreg [dreg:$0x3];
	s7 =	smul.u32 $0x140000, s6  }
0x8: {  	[smem:$0x7FF] =	sst s4;
	s9 =	smul.u32 $0x4F00, s6;
	s6 =	ssub.s32 $0x2, s6  }
0x9: {  	s30 =	smul.u32 $0x4F0, s2;
	_ =	strace $0x80000047;
	s31 =	sshrl.u32 s6, $0x1  }
0xa: {  	s7 =	sadd.s32 s8, s7;
	s9 =	sadd.s32 s9, s5;
	s6 =	ssub.s32 s6, s31  }
0xb: {  	s7 =	sshrl.u32 s7, $0x3;
	s8 =	sadd.s32 s30, s9;
	s6 =	smax.u32 s6, $0x1  }
0xc: {  	s10 =	sadd.s32 s7, s5;
	s5 =	smul.u32 $0x280, s2;
	s7 =	sadd.s32 $0xC600, s8  }
0xd: {  	v0 =	vimm.f32 $0.0e+00;
	v1 =	vlaneseq.u32;
	s8 =	sadd.s32 $0x2800, s8;
	s9 =	sadd.s32 $0x16400, s10;
	s10 =	simm.s32 $0x80  }
.LBB2_1:
0xe: {  	s18 =	simm.s32 $0x0;
	s19 =	simm.s32 $0x200  }
.LBB2_2:
0xf: {  	p0 =	sne.s32 s19, $0xFE00;
	[tilespmem:s18+$0x141F0] =	vst v0  }
0x10: {  	[tilespmem:s18+$0x14180] =	vst v0  }
0x11: {  	[tilespmem:s18+$0x14190] =	vst v0  }
.Ltmp0:
0x12: {  	[tilespmem:s18+$0x141A0] =	vst v0;
	(pc) =	sbr.rel @p0 .LBB2_2-.Ltmp0, $4  }
0x13: {  	[tilespmem:s18+$0x141B0] =	vst v0  }
0x14: {  	[tilespmem:s18+$0x141C0] =	vst v0  }
0x15: {  	[tilespmem:s18+$0x141D0] =	vst v0  }
0x16: {  	[tilespmem:s18+$0x141E0] =	vst v0;
	s18 =	sshra.s32 s19, $0x2;
	s19 =	sadd.s32 $0x200, s19  }
0x17: {  	[tilespmem:s18+$0x141F0] =	vst v0  }
0x18: {  	[tilespmem:s18+$0x14180] =	vst v0  }
0x19: {  	[tilespmem:s18+$0x14190] =	vst v0  }
0x1a: {  	[tilespmem:s18+$0x141A0] =	vst v0  }
0x1b: {  	[tilespmem:s18+$0x141B0] =	vst v0  }
0x1c: {  	[tilespmem:s18+$0x141C0] =	vst v0  }
0x1d: {  	[tilespmem:s18+$0x141D0] =	vst v0;
	s19 =	sadd.s32 $0x0, s5  }
0x1e: {  	[tilespmem:s18+$0x141E0] =	vst v0;
	v2 =	vor.u32 s19, v1;
	s26 =	sadd.s32 $0x70, s19  }
0x1f: {  	s20 =	sadd.s32 $0x60, s19;
	[tilespmem:$0x14100] =	vst v2;
	v2 =	vor.u32 s26, v1  }
0x20: {  	s30 =	sadd.s32 $0x30, s19;
	v3 =	vor.u32 s20, v1;
	[tilespmem:$0x14170] =	vst v2  }
0x21: {  	s28 =	sadd.s32 $0x50, s19;
	v4 =	vor.u32 s30, v1;
	[tilespmem:$0x14160] =	vst v3  }
0x22: {  	s29 =	sadd.s32 $0x40, s19;
	v2 =	vor.u32 s28, v1;
	[tilespmem:$0x14130] =	vst v4  }
0x23: {  	s31 =	sadd.s32 $0x20, s19;
	v3 =	vor.u32 s29, v1;
	[tilespmem:$0x14150] =	vst v2  }
0x24: {  	s18 =	simm.s32 $0x80;
	s19 =	sadd.s32 $0x10, s19;
	[tilespmem:$0x14140] =	vst v3;
	v2 =	vor.u32 s31, v1  }
.LBB2_4:
0x25: {  	p0 =	sne.s32 s18, $0x200;
	v3 =	vor.u32 s19, v1;
	[tilespmem:$0x14120] =	vst v2  }
0x26: {  	[tilespmem:$0x14110] =	vst v3;
	[spmem:s3] =	stream.indirect.scatter [tilespmem:s12], [sflag:$0x2], $0x80, s11, s10, $0xb8  }
0x27: {  	_ =	swait.ge [sflag:s13], $0x4000  }
0x28: {  	s19 =	sadd.s32 s18, s5;
	[sflag:s13] =	ssyncset.done $0x0  }
0x29: {  	v2 =	vor.u32 s19, v1;
	s20 =	sadd.s32 $0x70, s19;
	[sflag:s13] =	ssyncadd.s32 $0xFFFFC000  }
0x2a: {  	s21 =	sadd.s32 $0x60, s19;
	[tilespmem:$0x14100] =	vst v2;
	v2 =	vor.u32 s20, v1  }
.Ltmp1:
0x2b: {  	v3 =	vor.u32 s21, v1;
	s20 =	sadd.s32 $0x50, s19;
	[tilespmem:$0x14170] =	vst v2;
	(pc) =	sbr.rel @p0 .LBB2_4-.Ltmp1, $4  }
0x2c: {  	s21 =	sadd.s32 $0x40, s19;
	v2 =	vor.u32 s20, v1;
	[tilespmem:$0x14160] =	vst v3  }
0x2d: {  	s20 =	sadd.s32 $0x30, s19;
	v3 =	vor.u32 s21, v1;
	[tilespmem:$0x14150] =	vst v2  }
0x2e: {  	s21 =	sadd.s32 $0x20, s19;
	v4 =	vor.u32 s20, v1;
	[tilespmem:$0x14140] =	vst v3  }
0x2f: {  	s18 =	sadd.s32 $0x80, s18;
	s19 =	sadd.s32 $0x10, s19;
	v2 =	vor.u32 s21, v1;
	[tilespmem:$0x14130] =	vst v4  }
0x30: {  	v3 =	vor.u32 s19, v1;
	[tilespmem:$0x14120] =	vst v2  }
0x31: {  	[tilespmem:$0x14110] =	vst v3  }
0x32: {  	[spmem:s3] =	stream.indirect.scatter [tilespmem:s12], [sflag:$0x2], $0x80, s11, s10, $0xb8;
	[tilespmem:$0x18180] =	vst v63  }
0x33: {  	_ =	swait.ge [sflag:s13], $0x4000  }
0x34: {  	[sflag:s13] =	ssyncset.done $0x0  }
0x35: {  	[sflag:s13] =	ssyncadd.s32 $0xFFFFC000  }
0x36: {  	s18 =	sadd.s32 $0x0, s7;
	[bflag:$0x0] =	sbarrier.arrive $0xFFFF  }
0x37: {  	[tilespmem:s14], [sflag:$0x2] =	stream.linear.gather [hbm4b:s18+s4], $0x80, $0x38;
	[tilespmem:$0x18180] =	vst v63  }
0x38: {  	_ =	swait.ge [sflag:s13], $0x80  }
0x39: {  	[sflag:s13] =	ssyncset.done $0x0  }
0x3a: {  	s31 =	sadd.s32 $0x0, s8;
	[sflag:s13] =	ssyncadd.s32 $0xFFFFFF80  }
0x3b: {  	[tilespmem:s15], [sflag:$0x2] =	stream.linear.gather [hbm4b:s31+s4], $0x80, $0x38;
	[tilespmem:$0x18180] =	vst v63  }
0x3c: {  	_ =	swait.ge [sflag:s13], $0x80  }
0x3d: {  	[sflag:s13] =	ssyncset.done $0x0  }
0x3e: {  	[sflag:s13] =	ssyncadd.s32 $0xFFFFFF80  }
0x3f: {  	[tilespmem:s12], [sflag:$0x1] =	stream.indirect.gather [hbm4b:s0+s10], $0x80, s14, s10, $0xb8;
	[tilespmem:$0x18180] =	vst v63  }
0x40: {  	_ =	swait.ge [sflag:s16], $0x4000  }
0x41: {  	[sflag:s16] =	ssyncset.done $0x0  }
0x42: {  	[sflag:s16] =	ssyncadd.s32 $0xFFFFC000  }
0x43: {  	[spmem:s3] =	stream.indirect.scatter.add.f32 [tilespmem:s12], [sflag:$0x2], $0x80, s15, s10, $0xb8;
	[tilespmem:$0x18180] =	vst v63  }
0x44: {  	_ =	swait.ge [sflag:s13], $0x4000  }
0x45: {  	s19 =	simm.s32 $0x20;
	s18 =	simm.s32 $0x10;
	[sflag:s13] =	ssyncset.done $0x0  }
.LBB2_6:
0x46: {  	s20 =	sadd.s32 s18, s7  }
0x47: {  	[sflag:s13] =	ssyncadd.s32 $0xFFFFC000;
	s21 =	smov.u32 s19;
	s22 =	sadd.s32 $0x10, s19  }
0x48: {  	[tilespmem:s14], [sflag:$0x2] =	stream.linear.gather [hbm4b:s20+s4], $0x80, $0x38;
	[tilespmem:$0x18180] =	vst v63  }
0x49: {  	p0 =	sne.s32 s19, $0x4E0;
	_ =	swait.ge [sflag:s13], $0x80  }
0x4a: {  	[sflag:s13] =	ssyncset.done $0x0  }
0x4b: {  	s19 =	sadd.s32 s18, s8;
	s18 =	smov.u32 s21;
	[sflag:s13] =	ssyncadd.s32 $0xFFFFFF80  }
0x4c: {  	[tilespmem:s15], [sflag:$0x2] =	stream.linear.gather [hbm4b:s19+s4], $0x80, $0x38;
	[tilespmem:$0x18180] =	vst v63  }
0x4d: {  	_ =	swait.ge [sflag:s13], $0x80  }
0x4e: {  	[sflag:s13] =	ssyncset.done $0x0  }
0x4f: {  	[sflag:s13] =	ssyncadd.s32 $0xFFFFFF80  }
0x50: {  	[tilespmem:s12], [sflag:$0x1] =	stream.indirect.gather [hbm4b:s0+s10], $0x80, s14, s10, $0xb8;
	[tilespmem:$0x18180] =	vst v63  }
0x51: {  	_ =	swait.ge [sflag:s16], $0x4000  }
.Ltmp2:
0x52: {  	[sflag:s16] =	ssyncset.done $0x0;
	(pc) =	sbr.rel @p0 .LBB2_6-.Ltmp2, $4  }
0x53: {  	[sflag:s16] =	ssyncadd.s32 $0xFFFFC000  }
0x54: {  	[spmem:s3] =	stream.indirect.scatter.add.f32 [tilespmem:s12], [sflag:$0x2], $0x80, s15, s10, $0xb8;
	[tilespmem:$0x18180] =	vst v63  }
0x55: {  	_ =	swait.ge [sflag:s13], $0x4000  }
0x56: {  	s19 =	smov.u32 s22;
	[sflag:s13] =	ssyncset.done $0x0  }
0x57: {  	s19 =	sadd.s32 s18, s7;
	[sflag:s13] =	ssyncadd.s32 $0xFFFFC000  }
0x58: {  	[tilespmem:s14], [sflag:$0x2] =	stream.linear.gather [hbm4b:s19+s4], $0x80, $0x38;
	[tilespmem:$0x18180] =	vst v63  }
0x59: {  	_ =	swait.ge [sflag:s13], $0x80  }
0x5a: {  	[sflag:s13] =	ssyncset.done $0x0  }
0x5b: {  	s24 =	sadd.s32 s18, s8;
	[sflag:s13] =	ssyncadd.s32 $0xFFFFFF80  }
0x5c: {  	[tilespmem:s15], [sflag:$0x2] =	stream.linear.gather [hbm4b:s24+s4], $0x80, $0x38;
	[tilespmem:$0x18180] =	vst v63  }
0x5d: {  	_ =	swait.ge [sflag:s13], $0x80  }
0x5e: {  	[sflag:s13] =	ssyncset.done $0x0  }
0x5f: {  	[sflag:s13] =	ssyncadd.s32 $0xFFFFFF80  }
0x60: {  	[tilespmem:s12], [sflag:$0x1] =	stream.indirect.gather [hbm4b:s0+s10], $0x80, s14, s10, $0xb8;
	[tilespmem:$0x18180] =	vst v63  }
0x61: {  	_ =	swait.ge [sflag:s16], $0x4000  }
0x62: {  	[sflag:s16] =	ssyncset.done $0x0  }
0x63: {  	[sflag:s16] =	ssyncadd.s32 $0xFFFFC000  }
0x64: {  	[spmem:s3] =	stream.indirect.scatter.add.f32 [tilespmem:s12], [sflag:$0x2], $0x80, s15, s10, $0xb8;
	[tilespmem:$0x18180] =	vst v63  }
0x65: {  	_ =	swait.ge [sflag:s13], $0x4000  }
0x66: {  	[sflag:s13] =	ssyncset.done $0x0  }
0x67: {  	s25 =	sadd.s32 $0x0, s5;
	[sflag:s13] =	ssyncadd.s32 $0xFFFFC000  }
0x68: {  	v2 =	vor.u32 s25, v1;
	s20 =	sadd.s32 $0x20, s25;
	[bflag:$0x0] =	sbarrier.arrive $0xFFFF  }
0x69: {  	s26 =	sadd.s32 $0x10, s25;
	v3 =	vor.u32 s20, v1;
	[tilespmem:$0x14100] =	vst v2  }
0x6a: {  	s30 =	sadd.s32 $0x40, s25;
	v2 =	vor.u32 s26, v1;
	[tilespmem:$0x14120] =	vst v3  }
0x6b: {  	s28 =	sadd.s32 $0x70, s25;
	v3 =	vor.u32 s30, v1;
	[tilespmem:$0x14110] =	vst v2  }
0x6c: {  	s18 =	sadd.s32 $0x30, s25;
	v2 =	vor.u32 s28, v1;
	[tilespmem:$0x14140] =	vst v3  }
0x6d: {  	s29 =	sadd.s32 $0x50, s25;
	v3 =	vor.u32 s18, v1;
	[tilespmem:$0x14170] =	vst v2  }
0x6e: {  	s31 =	sadd.s32 $0x60, s25;
	v2 =	vor.u32 s29, v1;
	[tilespmem:$0x14130] =	vst v3  }
0x6f: {  	[tilespmem:$0x14150] =	vst v2;
	v2 =	vor.u32 s31, v1  }
0x70: {  	s19 =	smov.u32 s9;
	s20 =	smov.u32 s9;
	s18 =	simm.s32 $0x80;
	[tilespmem:$0x14160] =	vst v2  }
0x71: {  	[tilespmem:s12], [sflag:$0x2] =	stream.indirect.gather [spmem:s3], $0x80, s11, s10, $0xb8;
	[tilespmem:$0x18180] =	vst v63  }
.LBB2_8:
0x72: {  	p0 =	sne.s32 s18, $0x200;
	_ =	swait.ge [sflag:s13], $0x4000;
	s20 =	sadd.s32 $0x800, s20  }
0x73: {  	s21 =	smov.u32 s18;
	s18 =	sadd.s32 $0x80, s18;
	[sflag:s13] =	ssyncset.done $0x0  }
0x74: {  	[sflag:s13] =	ssyncadd.s32 $0xFFFFC000  }
0x75: {  	[hbm4b:s19+s4] =	stream.linear.scatter [tilespmem:s12], [sflag:$0x2], $0x4000, $0x38;
	[tilespmem:$0x18180] =	vst v63  }
0x76: {  	s19 =	smov.u32 s20;
	_ =	swait.ge [sflag:s13], $0x4000  }
0x77: {  	s21 =	sadd.s32 s21, s5;
	[sflag:s13] =	ssyncset.done $0x0  }
0x78: {  	v2 =	vor.u32 s21, v1;
	s22 =	sadd.s32 $0x10, s21;
	s23 =	sadd.s32 $0x20, s21;
	[sflag:s13] =	ssyncadd.s32 $0xFFFFC000  }
0x79: {  	s24 =	sadd.s32 $0x70, s21;
	v3 =	vor.u32 s23, v1;
	s23 =	sadd.s32 $0x50, s21;
	[tilespmem:$0x14100] =	vst v2;
	v2 =	vor.u32 s22, v1;
	s22 =	sadd.s32 $0x40, s21  }
0x7a: {  	s25 =	sadd.s32 $0x30, s21;
	v5 =	vor.u32 s24, v1;
	v4 =	vor.u32 s23, v1;
	s21 =	sadd.s32 $0x60, s21;
	[tilespmem:$0x14110] =	vst v2;
	v2 =	vor.u32 s22, v1  }
0x7b: {  	v6 =	vor.u32 s25, v1;
	v7 =	vor.u32 s21, v1;
	[tilespmem:$0x14170] =	vst v5  }
0x7c: {  	[tilespmem:$0x14120] =	vst v3  }
.Ltmp3:
0x7d: {  	[tilespmem:$0x14150] =	vst v4;
	(pc) =	sbr.rel @p0 .LBB2_8-.Ltmp3, $4  }
0x7e: {  	[tilespmem:$0x14140] =	vst v2  }
0x7f: {  	[tilespmem:$0x14160] =	vst v7  }
0x80: {  	[tilespmem:$0x14130] =	vst v6  }
0x81: {  	[tilespmem:s12], [sflag:$0x2] =	stream.indirect.gather [spmem:s3], $0x80, s11, s10, $0xb8;
	[tilespmem:$0x18180] =	vst v63  }
0x82: {  	_ =	swait.ge [sflag:s13], $0x4000;
	s17 =	sadd.s32 $0x1, s17  }
0x83: {  	[sflag:s13] =	ssyncset.done $0x0;
	p0 =	sne.s32 s17, s6  }
.Ltmp4:
0x84: {  	[sflag:s13] =	ssyncadd.s32 $0xFFFFC000;
	(pc) =	sbr.rel @p0 .LBB2_1-.Ltmp4, $4  }
0x85: {  	[hbm4b:s19+s4] =	stream.linear.scatter [tilespmem:s12], [sflag:$0x2], $0x4000, $0x38;
	[tilespmem:$0x18180] =	vst v63  }
0x86: {  	_ =	swait.ge [sflag:s13], $0x4000  }
0x87: {  	[sflag:s13] =	ssyncset.done $0x0  }
0x88: {  	[sflag:s13] =	ssyncadd.s32 $0xFFFFC000  }
0x89: {  	_ =	sfence.sel $0x180000  }
0x8a: {  	[bflag:$0x0] =	sbarrier.arrive $0xFFFF  }
0x8b: {  	p0 =	sne.s32 s2, $0x0;
	_ =	strace $0x90000047  }
0x8c: {  	s0 =	sadd.s32 @!p0 $0x100000, s1;
	[bflag:$0x2] =	sbarrier.arrive $0xFFFF  }
0x8d: {  	[sflag:s0] =	ssyncadd.tile.s32 @!p0 $0x1;
	_ =	shalt  }
.Lfunc_end2:
_tile_overlayer_lowered:
.L_overlay_start_2:
0x8e: {  	(tag) =	ssettag $0x2  }
0x8f: {  	s0 =	rddreg [dreg:$0x0];
	s2 =	stileid.u32  }
0x90: {  	s1 =	rddreg [dreg:$0x1];
	p0 =	sne.s32 s2, $0x0  }
0x91: {  	s3 =	rddreg [dreg:$0x2];
	[bflag:$0x3] =	sbarrier.arrive $0xFFFF;
	s2 =	simm.s32 @!p0 $0x1C02  }
0x92: {  	[timem:s3], [sflag:s2] =	dma.local @!p0 [hbm:s0], s1  }
0x93: {  	s0 =	simm.s32 @!p0 $0x2  }
0x94: {  	_ =	swait.ge @!p0 [sflag:s0], s1  }
0x95: {  	s1 =	ssub.s32 @!p0 $0x0, s1;
	[sflag:s0] =	ssyncset.done @!p0 $0x0  }
0x96: {  	[sflag:s0] =	ssyncadd.s32 @!p0 s1  }
0x97: {  	[bflag:$0x3] =	sbarrier.arrive $0xFFFF  }
0x98: {  	_ =	shalt  }

</sc_bundles>
